<compile_context>
chip_gen: v7x
topology: tpu7x:2x2x1
jax: 0.10.2.dev20260603
libtpu: 0.0.44.dev20260713+nightly
codegen_flags: <defaults>
</compile_context>

<pallas_src>
import functools

import jax
import jax.numpy as jnp
from jax import lax
from jax.experimental import pallas as pl
from jax.experimental.pallas import tpu as pltpu
from jax.experimental.pallas import tpu_sc as plsc

V = 1000
D = 128
N_OUT = 100000

NC = 2
NS = 16
NW = NC * NS

CHUNK = 128
FULL_CH = 24
SB = 2
NBUF = 3
NSUPER = FULL_CH // SB
SROWS = SB * CHUNK

SIZE_A = FULL_CH * CHUNK + 56
SIZE_B = FULL_CH * CHUNK + 32
N_A = 28
TAIL_A = 56
TAIL_B = 32


def _table_kernel(emb_ref, w_ref, b_ref, out_ref):
    emb = emb_ref[...]
    row_ids = lax.broadcasted_iota(jnp.int32, emb.shape, 0)
    emb = jnp.where(row_ids == 0, 0.0, emb)
    emb = jnp.maximum(emb, 0.0)
    acc = jnp.dot(emb, w_ref[...], preferred_element_type=jnp.float32)
    out_ref[...] = jnp.maximum(acc + b_ref[...], 0.0)


def _build_table(emb_table, W, b):
    return pl.pallas_call(
        _table_kernel,
        out_shape=jax.ShapeDtypeStruct((V, D), jnp.float32),
    )(emb_table, W, b.reshape(1, D))


_sc_mesh = plsc.VectorSubcoreMesh(core_axis_name="c", subcore_axis_name="s")


@functools.partial(
    pl.kernel,
    mesh=_sc_mesh,
    out_type=jax.ShapeDtypeStruct((N_OUT, D), jnp.float32),
    scratch_types=[
        pltpu.VMEM((SIZE_A,), jnp.int32),
        pltpu.VMEM_SHARED((V, D), jnp.float32),
        [pltpu.VMEM((SROWS, D), jnp.float32) for _ in range(NBUF)],
        pltpu.VMEM((TAIL_A, D), jnp.float32),
        [pltpu.SemaphoreType.DMA for _ in range(NBUF)],
        [pltpu.SemaphoreType.DMA for _ in range(NBUF)],
        [pltpu.SemaphoreType.DMA for _ in range(2)],
    ],
)
def _gather_kernel(
    idx_hbm, table_hbm, out_hbm, idx_v, table_sp, rows, tail_v, gsems, ssems,
    tsems,
):
    sid = lax.axis_index("s")
    wid = sid * NC + lax.axis_index("c")
    is_a = wid < N_A
    base = jnp.where(is_a, wid * SIZE_A, N_A * SIZE_A + (wid - N_A) * SIZE_B)

    @pl.when(sid == 0)
    def _():
        pltpu.make_async_copy(table_hbm, table_sp, tsems[0]).start()

    @pl.when(is_a)
    def _():
        pltpu.sync_copy(idx_hbm.at[pl.ds(base, SIZE_A)], idx_v)

    @pl.when(jnp.logical_not(is_a))
    def _():
        pltpu.sync_copy(
            idx_hbm.at[pl.ds(base, SIZE_B)], idx_v.at[pl.ds(0, SIZE_B)]
        )

    @pl.when(sid == 0)
    def _():
        pltpu.make_async_copy(table_hbm, table_sp, tsems[0]).wait()

    plsc.subcore_barrier()

    tail_off = FULL_CH * CHUNK

    def tail_gather_desc(n):
        return pltpu.make_async_copy(
            table_sp.at[idx_v.at[pl.ds(tail_off, n)]],
            tail_v.at[pl.ds(0, n)],
            tsems[0],
        )

    def tail_scatter_desc(n):
        return pltpu.make_async_copy(
            tail_v.at[pl.ds(0, n)],
            out_hbm.at[pl.ds(base + tail_off, n)],
            tsems[1],
        )

    @pl.when(is_a)
    def _():
        tail_gather_desc(TAIL_A).start()

    @pl.when(jnp.logical_not(is_a))
    def _():
        tail_gather_desc(TAIL_B).start()

    def fire_gathers(g, b):
        gathers = []
        for k in range(SB):
            c = g * SB + k
            gathers.append(
                pltpu.async_copy(
                    table_sp.at[idx_v.at[pl.ds(c * CHUNK, CHUNK)]],
                    rows[b].at[pl.ds(k * CHUNK, CHUNK)],
                    gsems[b],
                )
            )
        return gathers

    def scatter_desc(g, b):
        return pltpu.make_async_copy(
            rows[b], out_hbm.at[pl.ds(base + g * SROWS, SROWS)], ssems[b]
        )

    def fire_scatter(g, b, gathers):
        for gd in gathers:
            gd.wait()
        scatter_desc(g, b).start()

    for b in range(NBUF):
        fire_scatter(b, b, fire_gathers(b, b))

    def outer(o, carry):
        for b in range(NBUF):
            g = NBUF + o * NBUF + b
            scatter_desc(g - NBUF, b).wait()
            fire_scatter(g, b, fire_gathers(g, b))
        return carry

    lax.fori_loop(0, (NSUPER - NBUF) // NBUF, outer, 0)

    @pl.when(is_a)
    def _():
        tail_gather_desc(TAIL_A).wait()
        tail_scatter_desc(TAIL_A).start()

    @pl.when(jnp.logical_not(is_a))
    def _():
        tail_gather_desc(TAIL_B).wait()
        tail_scatter_desc(TAIL_B).start()

    for b in range(NBUF):
        scatter_desc(NSUPER - NBUF + b, b).wait()

    @pl.when(is_a)
    def _():
        tail_scatter_desc(TAIL_A).wait()

    @pl.when(jnp.logical_not(is_a))
    def _():
        tail_scatter_desc(TAIL_B).wait()


def kernel(z, emb_table, W, b):
    table = _build_table(emb_table, W, b)
    return _gather_kernel(z.astype(jnp.int32), table)

# --- scband reference (transcript-rebuilt; emitter-appended) ---
"""Pipeline reference for scband-node-emb-41291815584463 (READ-ONLY COPY).

The authoritative reference and input builder live on the scoring server;
editing this copy changes nothing except your own understanding.
"""

import jax, jax.numpy as jnp
import numpy as np

MAX_Z = 1000
EMB = 128
HID = 128
N = 100000

def setup_inputs(seed: int = 0) -> dict:
    key = jax.random.key(seed)
    k_z, k_emb, k_w, k_b = jax.random.split(key, 4)
    z = jax.random.randint(k_z, (N,), 0, MAX_Z, dtype=jnp.int64 if jax.config.jax_enable_x64 else jnp.int32)
    emb_table = jax.random.normal(k_emb, (MAX_Z, EMB), dtype=jnp.float32) * 0.02
    W = jax.random.normal(k_w, (EMB, HID), dtype=jnp.float32) * (1.0 / np.sqrt(EMB))
    b = jax.random.normal(k_b, (HID,), dtype=jnp.float32) * 0.01
    return {"z": z, "emb_table": emb_table, "W": W, "b": b}

def reference(z, emb_table, W, b):
    # padding_idx=0: row 0 of the embedding table is treated as fixed zeros
    pad_mask = (jnp.arange(emb_table.shape[0]) != 0).astype(emb_table.dtype)[:, None]
    emb_eff = emb_table * pad_mask
    node_features = jax.nn.relu(jnp.take(emb_eff, z, axis=0))
    node_features = jax.nn.relu(node_features @ W + b)
    return node_features

if __name__ == "__main__":
    import jax
    _d = setup_inputs()
    print(jax.jit(kernel)(*tuple(_d.values())))

</pallas_src>

<mosaic_0001>
#map = affine_map<(d0, d1) -> (0)>
#map1 = affine_map<(d0, d1) -> (0, 0)>
module attributes {stable_mosaic.version = 14 : i64} {
  func.func @_gather_kernel(%arg0: i32, %arg1: i32, %arg2: memref<100000xi32, #tpu.memory_space<hbm>>, %arg3: memref<1000x128xf32, #tpu.memory_space<hbm>>, %arg4: memref<100000x128xf32, #tpu.memory_space<hbm>>, %arg5: memref<3128xi32, #tpu.memory_space<vmem>>, %arg6: memref<1000x128xf32, #tpu.memory_space<vmem_shared>>, %arg7: memref<256x128xf32, #tpu.memory_space<vmem>>, %arg8: memref<256x128xf32, #tpu.memory_space<vmem>>, %arg9: memref<256x128xf32, #tpu.memory_space<vmem>>, %arg10: memref<56x128xf32, #tpu.memory_space<vmem>>, %arg11: memref<!tpu.dma_semaphore, #tpu.memory_space<semaphore_mem>>, %arg12: memref<!tpu.dma_semaphore, #tpu.memory_space<semaphore_mem>>, %arg13: memref<!tpu.dma_semaphore, #tpu.memory_space<semaphore_mem>>, %arg14: memref<!tpu.dma_semaphore, #tpu.memory_space<semaphore_mem>>, %arg15: memref<!tpu.dma_semaphore, #tpu.memory_space<semaphore_mem>>, %arg16: memref<!tpu.dma_semaphore, #tpu.memory_space<semaphore_mem>>, %arg17: memref<!tpu.dma_semaphore, #tpu.memory_space<semaphore_mem>>, %arg18: memref<!tpu.dma_semaphore, #tpu.memory_space<semaphore_mem>>) attributes {dimension_semantics = [#tpu.dimension_semantics<core_parallel>, #tpu.dimension_semantics<subcore_parallel>], iteration_bounds = array<i64: 2, 16>, scalar_prefetch = 0 : i64, scratch_operands = 14 : i64, tpu.core_type = #tpu.core_type<sc_vector_subcore>, window_params = [{transform_indices = #map}, {transform_indices = #map1}, {transform_indices = #map1}]} {
    %mul3A = arith.constant 2 : i32
    %mul3A_0 = arith.muli %arg1, %mul3A : i32
    %add3A = arith.addi %mul3A_0, %arg0 : i32
    %lt3A = arith.constant 28 : i32
    %lt3A_1 = arith.cmpi slt, %add3A, %lt3A : i32
    %mul3A_2 = arith.constant 3128 : i32
    %mul3A_3 = arith.muli %add3A, %mul3A_2 : i32
    %sub3A = arith.constant 28 : i32
    %sub3A_4 = arith.subi %add3A, %sub3A : i32
    %mul3A_5 = arith.constant 3104 : i32
    %mul3A_6 = arith.muli %sub3A_4, %mul3A_5 : i32
    %add3A_7 = arith.constant 87584 : i32
    %add3A_8 = arith.addi %add3A_7, %mul3A_6 : i32
    %select_n3A = arith.select %lt3A_1, %mul3A_3, %add3A_8 : i32
    %eq3A = arith.constant 0 : i32
    %eq3A_9 = arith.cmpi eq, %arg1, %eq3A : i32
    %convert_element_type3A = arith.extui %eq3A_9 : i1 to i32
    %cond3A = arith.constant 0 : i32
    %cond3A_10 = arith.cmpi ne, %convert_element_type3A, %cond3A : i32
    scf.if %cond3A_10 {
      tpu.enqueue_dma source(%arg3 : memref<1000x128xf32, #tpu.memory_space<hbm>>) target(%arg6 : memref<1000x128xf32, #tpu.memory_space<vmem_shared>>) target_semaphore(%arg17 : memref<!tpu.dma_semaphore, #tpu.memory_space<semaphore_mem>>)
    } else {
    }
    %convert_element_type3A_11 = arith.extui %lt3A_1 : i1 to i32
    %cond3A_12 = arith.constant 0 : i32
    %cond3A_13 = arith.cmpi ne, %convert_element_type3A_11, %cond3A_12 : i32
    scf.if %cond3A_13 {
      "tpu.region"() ({
        %run_scoped3A = tpu.sem_alloc : memref<!tpu.dma_semaphore, #tpu.memory_space<semaphore_mem>>
        %dma_start3A_182 = tpu.memref_slice %arg2[%select_n3A] : memref<100000xi32, #tpu.memory_space<hbm>> -> memref<3128xi32, #tpu.memory_space<hbm>>
        %dma_start3A_183 = tpu.memref_slice %arg2[%select_n3A] : memref<100000xi32, #tpu.memory_space<hbm>> -> memref<3128xi32, #tpu.memory_space<hbm>>
        tpu.enqueue_dma source(%dma_start3A_183 : memref<3128xi32, #tpu.memory_space<hbm>>) target(%arg5 : memref<3128xi32, #tpu.memory_space<vmem>>) target_semaphore(%run_scoped3A : memref<!tpu.dma_semaphore, #tpu.memory_space<semaphore_mem>>)
        %dma_wait3A_184 = tpu.memref_slice %arg2[%select_n3A] : memref<100000xi32, #tpu.memory_space<hbm>> -> memref<3128xi32, #tpu.memory_space<hbm>>
        %dma_wait3A_185 = tpu.memref_slice %arg2[%select_n3A] : memref<100000xi32, #tpu.memory_space<hbm>> -> memref<3128xi32, #tpu.memory_space<hbm>>
        tpu.wait_dma2 semaphore(%run_scoped3A : memref<!tpu.dma_semaphore, #tpu.memory_space<semaphore_mem>>) src(%dma_wait3A_185 : memref<3128xi32, #tpu.memory_space<hbm>>) dst(%arg5 : memref<3128xi32, #tpu.memory_space<vmem>>)
        tpu.yield
      }) : () -> ()
    } else {
    }
    %not3A = arith.constant true
    %not3A_14 = arith.xori %lt3A_1, %not3A : i1
    %convert_element_type3A_15 = arith.extui %not3A_14 : i1 to i32
    %cond3A_16 = arith.constant 0 : i32
    %cond3A_17 = arith.cmpi ne, %convert_element_type3A_15, %cond3A_16 : i32
    scf.if %cond3A_17 {
      "tpu.region"() ({
        %run_scoped3A = tpu.sem_alloc : memref<!tpu.dma_semaphore, #tpu.memory_space<semaphore_mem>>
        %dma_start3A_182 = arith.constant 0 : i32
        %dma_start3A_183 = tpu.memref_slice %arg5[%dma_start3A_182] : memref<3128xi32, #tpu.memory_space<vmem>> -> memref<3104xi32, #tpu.memory_space<vmem>>
        %dma_start3A_184 = tpu.memref_slice %arg2[%select_n3A] : memref<100000xi32, #tpu.memory_space<hbm>> -> memref<3104xi32, #tpu.memory_space<hbm>>
        %dma_start3A_185 = arith.constant 0 : i32
        %dma_start3A_186 = tpu.memref_slice %arg5[%dma_start3A_185] : memref<3128xi32, #tpu.memory_space<vmem>> -> memref<3104xi32, #tpu.memory_space<vmem>>
        %dma_start3A_187 = tpu.memref_slice %arg2[%select_n3A] : memref<100000xi32, #tpu.memory_space<hbm>> -> memref<3104xi32, #tpu.memory_space<hbm>>
        tpu.enqueue_dma source(%dma_start3A_187 : memref<3104xi32, #tpu.memory_space<hbm>>) target(%dma_start3A_186 : memref<3104xi32, #tpu.memory_space<vmem>>) target_semaphore(%run_scoped3A : memref<!tpu.dma_semaphore, #tpu.memory_space<semaphore_mem>>)
        %dma_wait3A_188 = arith.constant 0 : i32
        %dma_wait3A_189 = tpu.memref_slice %arg5[%dma_wait3A_188] : memref<3128xi32, #tpu.memory_space<vmem>> -> memref<3104xi32, #tpu.memory_space<vmem>>
        %dma_wait3A_190 = tpu.memref_slice %arg2[%select_n3A] : memref<100000xi32, #tpu.memory_space<hbm>> -> memref<3104xi32, #tpu.memory_space<hbm>>
        %dma_wait3A_191 = arith.constant 0 : i32
        %dma_wait3A_192 = tpu.memref_slice %arg5[%dma_wait3A_191] : memref<3128xi32, #tpu.memory_space<vmem>> -> memref<3104xi32, #tpu.memory_space<vmem>>
        %dma_wait3A_193 = tpu.memref_slice %arg2[%select_n3A] : memref<100000xi32, #tpu.memory_space<hbm>> -> memref<3104xi32, #tpu.memory_space<hbm>>
        tpu.wait_dma2 semaphore(%run_scoped3A : memref<!tpu.dma_semaphore, #tpu.memory_space<semaphore_mem>>) src(%dma_wait3A_193 : memref<3104xi32, #tpu.memory_space<hbm>>) dst(%dma_wait3A_192 : memref<3104xi32, #tpu.memory_space<vmem>>)
        tpu.yield
      }) : () -> ()
    } else {
    }
    %eq3A_18 = arith.constant 0 : i32
    %eq3A_19 = arith.cmpi eq, %arg1, %eq3A_18 : i32
    %convert_element_type3A_20 = arith.extui %eq3A_19 : i1 to i32
    %cond3A_21 = arith.constant 0 : i32
    %cond3A_22 = arith.cmpi ne, %convert_element_type3A_20, %cond3A_21 : i32
    scf.if %cond3A_22 {
      tpu.wait_dma2 semaphore(%arg17 : memref<!tpu.dma_semaphore, #tpu.memory_space<semaphore_mem>>) src(%arg3 : memref<1000x128xf32, #tpu.memory_space<hbm>>) dst(%arg6 : memref<1000x128xf32, #tpu.memory_space<vmem_shared>>)
    } else {
    }
    %barrier3A = arith.constant 0 : index
    tpu.barrier barrier_id(%barrier3A)
    %convert_element_type3A_23 = arith.extui %lt3A_1 : i1 to i32
    %cond3A_24 = arith.constant 0 : i32
    %cond3A_25 = arith.cmpi ne, %convert_element_type3A_23, %cond3A_24 : i32
    scf.if %cond3A_25 {
      %dma_start3A_182 = arith.constant 0 : i32
      %dma_start3A_183 = arith.constant 0 : i32
      %dma_start3A_184 = tpu.memref_slice %arg10[%dma_start3A_182, %dma_start3A_183] : memref<56x128xf32, #tpu.memory_space<vmem>> -> memref<56x128xf32, #tpu.memory_space<vmem>>
      %dma_start3A_185 = arith.constant 3072 : i32
      %dma_start3A_186 = tpu.memref_slice %arg5[%dma_start3A_185] : memref<3128xi32, #tpu.memory_space<vmem>> -> memref<56xi32, #tpu.memory_space<vmem>>
      %dma_start3A_187 = arith.constant 0 : i32
      %dma_start3A_188 = arith.constant 0 : i32
      %dma_start3A_189 = tpu.memref_slice %arg6[%dma_start3A_187, %dma_start3A_188] : memref<1000x128xf32, #tpu.memory_space<vmem_shared>> -> memref<1000x128xf32, #tpu.memory_space<vmem_shared>>
      tpu.enqueue_indirect_dma source(%dma_start3A_189 : memref<1000x128xf32, #tpu.memory_space<vmem_shared>>) target(%dma_start3A_184 : memref<56x128xf32, #tpu.memory_space<vmem>>) offsets(%dma_start3A_186 : memref<56xi32, #tpu.memory_space<vmem>>) semaphore(%arg17 : memref<!tpu.dma_semaphore, #tpu.memory_space<semaphore_mem>>)
    } else {
    }
    %not3A_26 = arith.constant true
    %not3A_27 = arith.xori %lt3A_1, %not3A_26 : i1
    %convert_element_type3A_28 = arith.extui %not3A_27 : i1 to i32
    %cond3A_29 = arith.constant 0 : i32
    %cond3A_30 = arith.cmpi ne, %convert_element_type3A_28, %cond3A_29 : i32
    scf.if %cond3A_30 {
      %dma_start3A_182 = arith.constant 0 : i32
      %dma_start3A_183 = arith.constant 0 : i32
      %dma_start3A_184 = tpu.memref_slice %arg10[%dma_start3A_182, %dma_start3A_183] : memref<56x128xf32, #tpu.memory_space<vmem>> -> memref<32x128xf32, #tpu.memory_space<vmem>>
      %dma_start3A_185 = arith.constant 3072 : i32
      %dma_start3A_186 = tpu.memref_slice %arg5[%dma_start3A_185] : memref<3128xi32, #tpu.memory_space<vmem>> -> memref<32xi32, #tpu.memory_space<vmem>>
      %dma_start3A_187 = arith.constant 0 : i32
      %dma_start3A_188 = arith.constant 0 : i32
      %dma_start3A_189 = tpu.memref_slice %arg6[%dma_start3A_187, %dma_start3A_188] : memref<1000x128xf32, #tpu.memory_space<vmem_shared>> -> memref<1000x128xf32, #tpu.memory_space<vmem_shared>>
      tpu.enqueue_indirect_dma source(%dma_start3A_189 : memref<1000x128xf32, #tpu.memory_space<vmem_shared>>) target(%dma_start3A_184 : memref<32x128xf32, #tpu.memory_space<vmem>>) offsets(%dma_start3A_186 : memref<32xi32, #tpu.memory_space<vmem>>) semaphore(%arg17 : memref<!tpu.dma_semaphore, #tpu.memory_space<semaphore_mem>>)
    } else {
    }
    %dma_start3A = arith.constant 0 : i32
    %dma_start3A_31 = arith.constant 0 : i32
    %dma_start3A_32 = tpu.memref_slice %arg7[%dma_start3A, %dma_start3A_31] : memref<256x128xf32, #tpu.memory_space<vmem>> -> memref<128x128xf32, #tpu.memory_space<vmem>>
    %dma_start3A_33 = arith.constant 0 : i32
    %dma_start3A_34 = tpu.memref_slice %arg5[%dma_start3A_33] : memref<3128xi32, #tpu.memory_space<vmem>> -> memref<128xi32, #tpu.memory_space<vmem>>
    %dma_start3A_35 = arith.constant 0 : i32
    %dma_start3A_36 = arith.constant 0 : i32
    %dma_start3A_37 = tpu.memref_slice %arg6[%dma_start3A_35, %dma_start3A_36] : memref<1000x128xf32, #tpu.memory_space<vmem_shared>> -> memref<1000x128xf32, #tpu.memory_space<vmem_shared>>
    tpu.enqueue_indirect_dma source(%dma_start3A_37 : memref<1000x128xf32, #tpu.memory_space<vmem_shared>>) target(%dma_start3A_32 : memref<128x128xf32, #tpu.memory_space<vmem>>) offsets(%dma_start3A_34 : memref<128xi32, #tpu.memory_space<vmem>>) semaphore(%arg11 : memref<!tpu.dma_semaphore, #tpu.memory_space<semaphore_mem>>)
    %dma_start3A_38 = arith.constant 128 : i32
    %dma_start3A_39 = arith.constant 0 : i32
    %dma_start3A_40 = tpu.memref_slice %arg7[%dma_start3A_38, %dma_start3A_39] : memref<256x128xf32, #tpu.memory_space<vmem>> -> memref<128x128xf32, #tpu.memory_space<vmem>>
    %dma_start3A_41 = arith.constant 128 : i32
    %dma_start3A_42 = tpu.memref_slice %arg5[%dma_start3A_41] : memref<3128xi32, #tpu.memory_space<vmem>> -> memref<128xi32, #tpu.memory_space<vmem>>
    %dma_start3A_43 = arith.constant 0 : i32
    %dma_start3A_44 = arith.constant 0 : i32
    %dma_start3A_45 = tpu.memref_slice %arg6[%dma_start3A_43, %dma_start3A_44] : memref<1000x128xf32, #tpu.memory_space<vmem_shared>> -> memref<1000x128xf32, #tpu.memory_space<vmem_shared>>
    tpu.enqueue_indirect_dma source(%dma_start3A_45 : memref<1000x128xf32, #tpu.memory_space<vmem_shared>>) target(%dma_start3A_40 : memref<128x128xf32, #tpu.memory_space<vmem>>) offsets(%dma_start3A_42 : memref<128xi32, #tpu.memory_space<vmem>>) semaphore(%arg11 : memref<!tpu.dma_semaphore, #tpu.memory_space<semaphore_mem>>)
    %dma_wait3A = arith.constant 0 : i32
    %dma_wait3A_46 = arith.constant 0 : i32
    %dma_wait3A_47 = tpu.memref_slice %arg7[%dma_wait3A, %dma_wait3A_46] : memref<256x128xf32, #tpu.memory_space<vmem>> -> memref<128x128xf32, #tpu.memory_space<vmem>>
    %dma_wait3A_48 = arith.constant 0 : i32
    %dma_wait3A_49 = tpu.memref_slice %arg5[%dma_wait3A_48] : memref<3128xi32, #tpu.memory_space<vmem>> -> memref<128xi32, #tpu.memory_space<vmem>>
    %dma_wait3A_50 = arith.constant 0 : i32
    %dma_wait3A_51 = arith.constant 0 : i32
    %dma_wait3A_52 = tpu.memref_slice %arg6[%dma_wait3A_50, %dma_wait3A_51] : memref<1000x128xf32, #tpu.memory_space<vmem_shared>> -> memref<1000x128xf32, #tpu.memory_space<vmem_shared>>
    tpu.wait_indirect_dma semaphore(%arg11 : memref<!tpu.dma_semaphore, #tpu.memory_space<semaphore_mem>>) src(%dma_wait3A_52 : memref<1000x128xf32, #tpu.memory_space<vmem_shared>>) dst(%dma_wait3A_47 : memref<128x128xf32, #tpu.memory_space<vmem>>)
    %dma_wait3A_53 = arith.constant 128 : i32
    %dma_wait3A_54 = arith.constant 0 : i32
    %dma_wait3A_55 = tpu.memref_slice %arg7[%dma_wait3A_53, %dma_wait3A_54] : memref<256x128xf32, #tpu.memory_space<vmem>> -> memref<128x128xf32, #tpu.memory_space<vmem>>
    %dma_wait3A_56 = arith.constant 128 : i32
    %dma_wait3A_57 = tpu.memref_slice %arg5[%dma_wait3A_56] : memref<3128xi32, #tpu.memory_space<vmem>> -> memref<128xi32, #tpu.memory_space<vmem>>
    %dma_wait3A_58 = arith.constant 0 : i32
    %dma_wait3A_59 = arith.constant 0 : i32
    %dma_wait3A_60 = tpu.memref_slice %arg6[%dma_wait3A_58, %dma_wait3A_59] : memref<1000x128xf32, #tpu.memory_space<vmem_shared>> -> memref<1000x128xf32, #tpu.memory_space<vmem_shared>>
    tpu.wait_indirect_dma semaphore(%arg11 : memref<!tpu.dma_semaphore, #tpu.memory_space<semaphore_mem>>) src(%dma_wait3A_60 : memref<1000x128xf32, #tpu.memory_space<vmem_shared>>) dst(%dma_wait3A_55 : memref<128x128xf32, #tpu.memory_space<vmem>>)
    %add3A_61 = arith.constant 0 : i32
    %add3A_62 = arith.addi %select_n3A, %add3A_61 : i32
    %dma_start3A_63 = arith.constant 0 : i32
    %dma_start3A_64 = tpu.memref_slice %arg4[%add3A_62, %dma_start3A_63] : memref<100000x128xf32, #tpu.memory_space<hbm>> -> memref<256x128xf32, #tpu.memory_space<hbm>>
    %dma_start3A_65 = arith.constant 0 : i32
    %dma_start3A_66 = tpu.memref_slice %arg4[%add3A_62, %dma_start3A_65] : memref<100000x128xf32, #tpu.memory_space<hbm>> -> memref<256x128xf32, #tpu.memory_space<hbm>>
    tpu.enqueue_dma source(%arg7 : memref<256x128xf32, #tpu.memory_space<vmem>>) target(%dma_start3A_66 : memref<256x128xf32, #tpu.memory_space<hbm>>) target_semaphore(%arg14 : memref<!tpu.dma_semaphore, #tpu.memory_space<semaphore_mem>>)
    %dma_start3A_67 = arith.constant 0 : i32
    %dma_start3A_68 = arith.constant 0 : i32
    %dma_start3A_69 = tpu.memref_slice %arg8[%dma_start3A_67, %dma_start3A_68] : memref<256x128xf32, #tpu.memory_space<vmem>> -> memref<128x128xf32, #tpu.memory_space<vmem>>
    %dma_start3A_70 = arith.constant 256 : i32
    %dma_start3A_71 = tpu.memref_slice %arg5[%dma_start3A_70] : memref<3128xi32, #tpu.memory_space<vmem>> -> memref<128xi32, #tpu.memory_space<vmem>>
    %dma_start3A_72 = arith.constant 0 : i32
    %dma_start3A_73 = arith.constant 0 : i32
    %dma_start3A_74 = tpu.memref_slice %arg6[%dma_start3A_72, %dma_start3A_73] : memref<1000x128xf32, #tpu.memory_space<vmem_shared>> -> memref<1000x128xf32, #tpu.memory_space<vmem_shared>>
    tpu.enqueue_indirect_dma source(%dma_start3A_74 : memref<1000x128xf32, #tpu.memory_space<vmem_shared>>) target(%dma_start3A_69 : memref<128x128xf32, #tpu.memory_space<vmem>>) offsets(%dma_start3A_71 : memref<128xi32, #tpu.memory_space<vmem>>) semaphore(%arg12 : memref<!tpu.dma_semaphore, #tpu.memory_space<semaphore_mem>>)
    %dma_start3A_75 = arith.constant 128 : i32
    %dma_start3A_76 = arith.constant 0 : i32
    %dma_start3A_77 = tpu.memref_slice %arg8[%dma_start3A_75, %dma_start3A_76] : memref<256x128xf32, #tpu.memory_space<vmem>> -> memref<128x128xf32, #tpu.memory_space<vmem>>
    %dma_start3A_78 = arith.constant 384 : i32
    %dma_start3A_79 = tpu.memref_slice %arg5[%dma_start3A_78] : memref<3128xi32, #tpu.memory_space<vmem>> -> memref<128xi32, #tpu.memory_space<vmem>>
    %dma_start3A_80 = arith.constant 0 : i32
    %dma_start3A_81 = arith.constant 0 : i32
    %dma_start3A_82 = tpu.memref_slice %arg6[%dma_start3A_80, %dma_start3A_81] : memref<1000x128xf32, #tpu.memory_space<vmem_shared>> -> memref<1000x128xf32, #tpu.memory_space<vmem_shared>>
    tpu.enqueue_indirect_dma source(%dma_start3A_82 : memref<1000x128xf32, #tpu.memory_space<vmem_shared>>) target(%dma_start3A_77 : memref<128x128xf32, #tpu.memory_space<vmem>>) offsets(%dma_start3A_79 : memref<128xi32, #tpu.memory_space<vmem>>) semaphore(%arg12 : memref<!tpu.dma_semaphore, #tpu.memory_space<semaphore_mem>>)
    %dma_wait3A_83 = arith.constant 0 : i32
    %dma_wait3A_84 = arith.constant 0 : i32
    %dma_wait3A_85 = tpu.memref_slice %arg8[%dma_wait3A_83, %dma_wait3A_84] : memref<256x128xf32, #tpu.memory_space<vmem>> -> memref<128x128xf32, #tpu.memory_space<vmem>>
    %dma_wait3A_86 = arith.constant 256 : i32
    %dma_wait3A_87 = tpu.memref_slice %arg5[%dma_wait3A_86] : memref<3128xi32, #tpu.memory_space<vmem>> -> memref<128xi32, #tpu.memory_space<vmem>>
    %dma_wait3A_88 = arith.constant 0 : i32
    %dma_wait3A_89 = arith.constant 0 : i32
    %dma_wait3A_90 = tpu.memref_slice %arg6[%dma_wait3A_88, %dma_wait3A_89] : memref<1000x128xf32, #tpu.memory_space<vmem_shared>> -> memref<1000x128xf32, #tpu.memory_space<vmem_shared>>
    tpu.wait_indirect_dma semaphore(%arg12 : memref<!tpu.dma_semaphore, #tpu.memory_space<semaphore_mem>>) src(%dma_wait3A_90 : memref<1000x128xf32, #tpu.memory_space<vmem_shared>>) dst(%dma_wait3A_85 : memref<128x128xf32, #tpu.memory_space<vmem>>)
    %dma_wait3A_91 = arith.constant 128 : i32
    %dma_wait3A_92 = arith.constant 0 : i32
    %dma_wait3A_93 = tpu.memref_slice %arg8[%dma_wait3A_91, %dma_wait3A_92] : memref<256x128xf32, #tpu.memory_space<vmem>> -> memref<128x128xf32, #tpu.memory_space<vmem>>
    %dma_wait3A_94 = arith.constant 384 : i32
    %dma_wait3A_95 = tpu.memref_slice %arg5[%dma_wait3A_94] : memref<3128xi32, #tpu.memory_space<vmem>> -> memref<128xi32, #tpu.memory_space<vmem>>
    %dma_wait3A_96 = arith.constant 0 : i32
    %dma_wait3A_97 = arith.constant 0 : i32
    %dma_wait3A_98 = tpu.memref_slice %arg6[%dma_wait3A_96, %dma_wait3A_97] : memref<1000x128xf32, #tpu.memory_space<vmem_shared>> -> memref<1000x128xf32, #tpu.memory_space<vmem_shared>>
    tpu.wait_indirect_dma semaphore(%arg12 : memref<!tpu.dma_semaphore, #tpu.memory_space<semaphore_mem>>) src(%dma_wait3A_98 : memref<1000x128xf32, #tpu.memory_space<vmem_shared>>) dst(%dma_wait3A_93 : memref<128x128xf32, #tpu.memory_space<vmem>>)
    %add3A_99 = arith.constant 256 : i32
    %add3A_100 = arith.addi %select_n3A, %add3A_99 : i32
    %dma_start3A_101 = arith.constant 0 : i32
    %dma_start3A_102 = tpu.memref_slice %arg4[%add3A_100, %dma_start3A_101] : memref<100000x128xf32, #tpu.memory_space<hbm>> -> memref<256x128xf32, #tpu.memory_space<hbm>>
    %dma_start3A_103 = arith.constant 0 : i32
    %dma_start3A_104 = tpu.memref_slice %arg4[%add3A_100, %dma_start3A_103] : memref<100000x128xf32, #tpu.memory_space<hbm>> -> memref<256x128xf32, #tpu.memory_space<hbm>>
    tpu.enqueue_dma source(%arg8 : memref<256x128xf32, #tpu.memory_space<vmem>>) target(%dma_start3A_104 : memref<256x128xf32, #tpu.memory_space<hbm>>) target_semaphore(%arg15 : memref<!tpu.dma_semaphore, #tpu.memory_space<semaphore_mem>>)
    %dma_start3A_105 = arith.constant 0 : i32
    %dma_start3A_106 = arith.constant 0 : i32
    %dma_start3A_107 = tpu.memref_slice %arg9[%dma_start3A_105, %dma_start3A_106] : memref<256x128xf32, #tpu.memory_space<vmem>> -> memref<128x128xf32, #tpu.memory_space<vmem>>
    %dma_start3A_108 = arith.constant 512 : i32
    %dma_start3A_109 = tpu.memref_slice %arg5[%dma_start3A_108] : memref<3128xi32, #tpu.memory_space<vmem>> -> memref<128xi32, #tpu.memory_space<vmem>>
    %dma_start3A_110 = arith.constant 0 : i32
    %dma_start3A_111 = arith.constant 0 : i32
    %dma_start3A_112 = tpu.memref_slice %arg6[%dma_start3A_110, %dma_start3A_111] : memref<1000x128xf32, #tpu.memory_space<vmem_shared>> -> memref<1000x128xf32, #tpu.memory_space<vmem_shared>>
    tpu.enqueue_indirect_dma source(%dma_start3A_112 : memref<1000x128xf32, #tpu.memory_space<vmem_shared>>) target(%dma_start3A_107 : memref<128x128xf32, #tpu.memory_space<vmem>>) offsets(%dma_start3A_109 : memref<128xi32, #tpu.memory_space<vmem>>) semaphore(%arg13 : memref<!tpu.dma_semaphore, #tpu.memory_space<semaphore_mem>>)
    %dma_start3A_113 = arith.constant 128 : i32
    %dma_start3A_114 = arith.constant 0 : i32
    %dma_start3A_115 = tpu.memref_slice %arg9[%dma_start3A_113, %dma_start3A_114] : memref<256x128xf32, #tpu.memory_space<vmem>> -> memref<128x128xf32, #tpu.memory_space<vmem>>
    %dma_start3A_116 = arith.constant 640 : i32
    %dma_start3A_117 = tpu.memref_slice %arg5[%dma_start3A_116] : memref<3128xi32, #tpu.memory_space<vmem>> -> memref<128xi32, #tpu.memory_space<vmem>>
    %dma_start3A_118 = arith.constant 0 : i32
    %dma_start3A_119 = arith.constant 0 : i32
    %dma_start3A_120 = tpu.memref_slice %arg6[%dma_start3A_118, %dma_start3A_119] : memref<1000x128xf32, #tpu.memory_space<vmem_shared>> -> memref<1000x128xf32, #tpu.memory_space<vmem_shared>>
    tpu.enqueue_indirect_dma source(%dma_start3A_120 : memref<1000x128xf32, #tpu.memory_space<vmem_shared>>) target(%dma_start3A_115 : memref<128x128xf32, #tpu.memory_space<vmem>>) offsets(%dma_start3A_117 : memref<128xi32, #tpu.memory_space<vmem>>) semaphore(%arg13 : memref<!tpu.dma_semaphore, #tpu.memory_space<semaphore_mem>>)
    %dma_wait3A_121 = arith.constant 0 : i32
    %dma_wait3A_122 = arith.constant 0 : i32
    %dma_wait3A_123 = tpu.memref_slice %arg9[%dma_wait3A_121, %dma_wait3A_122] : memref<256x128xf32, #tpu.memory_space<vmem>> -> memref<128x128xf32, #tpu.memory_space<vmem>>
    %dma_wait3A_124 = arith.constant 512 : i32
    %dma_wait3A_125 = tpu.memref_slice %arg5[%dma_wait3A_124] : memref<3128xi32, #tpu.memory_space<vmem>> -> memref<128xi32, #tpu.memory_space<vmem>>
    %dma_wait3A_126 = arith.constant 0 : i32
    %dma_wait3A_127 = arith.constant 0 : i32
    %dma_wait3A_128 = tpu.memref_slice %arg6[%dma_wait3A_126, %dma_wait3A_127] : memref<1000x128xf32, #tpu.memory_space<vmem_shared>> -> memref<1000x128xf32, #tpu.memory_space<vmem_shared>>
    tpu.wait_indirect_dma semaphore(%arg13 : memref<!tpu.dma_semaphore, #tpu.memory_space<semaphore_mem>>) src(%dma_wait3A_128 : memref<1000x128xf32, #tpu.memory_space<vmem_shared>>) dst(%dma_wait3A_123 : memref<128x128xf32, #tpu.memory_space<vmem>>)
    %dma_wait3A_129 = arith.constant 128 : i32
    %dma_wait3A_130 = arith.constant 0 : i32
    %dma_wait3A_131 = tpu.memref_slice %arg9[%dma_wait3A_129, %dma_wait3A_130] : memref<256x128xf32, #tpu.memory_space<vmem>> -> memref<128x128xf32, #tpu.memory_space<vmem>>
    %dma_wait3A_132 = arith.constant 640 : i32
    %dma_wait3A_133 = tpu.memref_slice %arg5[%dma_wait3A_132] : memref<3128xi32, #tpu.memory_space<vmem>> -> memref<128xi32, #tpu.memory_space<vmem>>
    %dma_wait3A_134 = arith.constant 0 : i32
    %dma_wait3A_135 = arith.constant 0 : i32
    %dma_wait3A_136 = tpu.memref_slice %arg6[%dma_wait3A_134, %dma_wait3A_135] : memref<1000x128xf32, #tpu.memory_space<vmem_shared>> -> memref<1000x128xf32, #tpu.memory_space<vmem_shared>>
    tpu.wait_indirect_dma semaphore(%arg13 : memref<!tpu.dma_semaphore, #tpu.memory_space<semaphore_mem>>) src(%dma_wait3A_136 : memref<1000x128xf32, #tpu.memory_space<vmem_shared>>) dst(%dma_wait3A_131 : memref<128x128xf32, #tpu.memory_space<vmem>>)
    %add3A_137 = arith.constant 512 : i32
    %add3A_138 = arith.addi %select_n3A, %add3A_137 : i32
    %dma_start3A_139 = arith.constant 0 : i32
    %dma_start3A_140 = tpu.memref_slice %arg4[%add3A_138, %dma_start3A_139] : memref<100000x128xf32, #tpu.memory_space<hbm>> -> memref<256x128xf32, #tpu.memory_space<hbm>>
    %dma_start3A_141 = arith.constant 0 : i32
    %dma_start3A_142 = tpu.memref_slice %arg4[%add3A_138, %dma_start3A_141] : memref<100000x128xf32, #tpu.memory_space<hbm>> -> memref<256x128xf32, #tpu.memory_space<hbm>>
    tpu.enqueue_dma source(%arg9 : memref<256x128xf32, #tpu.memory_space<vmem>>) target(%dma_start3A_142 : memref<256x128xf32, #tpu.memory_space<hbm>>) target_semaphore(%arg16 : memref<!tpu.dma_semaphore, #tpu.memory_space<semaphore_mem>>)
    %scan3A = arith.constant 0 : i32
    %scan3A_143 = arith.constant 0 : i32
    %scan3A_144 = arith.constant 3 : i32
    %scan3A_145 = arith.addi %scan3A_143, %scan3A_144 : i32
    %scan3A_146 = arith.constant 1 : i32
    scf.for %scan3A_182 = %scan3A_143 to %scan3A_145 step %scan3A_146  : i32 {
      %mul3A_183 = arith.constant 3 : i32
      %mul3A_184 = arith.muli %scan3A_182, %mul3A_183 : i32
      %add3A_185 = arith.constant 3 : i32
      %add3A_186 = arith.addi %add3A_185, %mul3A_184 : i32
      %add3A_187 = arith.constant 0 : i32
      %add3A_188 = arith.addi %add3A_186, %add3A_187 : i32
      %sub3A_189 = arith.constant 3 : i32
      %sub3A_190 = arith.subi %add3A_188, %sub3A_189 : i32
      %mul3A_191 = arith.constant 256 : i32
      %mul3A_192 = arith.muli %sub3A_190, %mul3A_191 : i32
      %add3A_193 = arith.addi %select_n3A, %mul3A_192 : i32
      %dma_wait3A_194 = arith.constant 0 : i32
      %dma_wait3A_195 = tpu.memref_slice %arg4[%add3A_193, %dma_wait3A_194] : memref<100000x128xf32, #tpu.memory_space<hbm>> -> memref<256x128xf32, #tpu.memory_space<hbm>>
      %dma_wait3A_196 = arith.constant 0 : i32
      %dma_wait3A_197 = tpu.memref_slice %arg4[%add3A_193, %dma_wait3A_196] : memref<100000x128xf32, #tpu.memory_space<hbm>> -> memref<256x128xf32, #tpu.memory_space<hbm>>
      tpu.wait_dma2 semaphore(%arg14 : memref<!tpu.dma_semaphore, #tpu.memory_space<semaphore_mem>>) src(%arg7 : memref<256x128xf32, #tpu.memory_space<vmem>>) dst(%dma_wait3A_197 : memref<256x128xf32, #tpu.memory_space<hbm>>)
      %mul3A_198 = arith.constant 2 : i32
      %mul3A_199 = arith.muli %add3A_188, %mul3A_198 : i32
      %add3A_200 = arith.constant 0 : i32
      %add3A_201 = arith.addi %mul3A_199, %add3A_200 : i32
      %mul3A_202 = arith.constant 128 : i32
      %mul3A_203 = arith.muli %add3A_201, %mul3A_202 : i32
      %dma_start3A_204 = arith.constant 0 : i32
      %dma_start3A_205 = arith.constant 0 : i32
      %dma_start3A_206 = tpu.memref_slice %arg7[%dma_start3A_204, %dma_start3A_205] : memref<256x128xf32, #tpu.memory_space<vmem>> -> memref<128x128xf32, #tpu.memory_space<vmem>>
      %dma_start3A_207 = tpu.memref_slice %arg5[%mul3A_203] : memref<3128xi32, #tpu.memory_space<vmem>> -> memref<128xi32, #tpu.memory_space<vmem>>
      %dma_start3A_208 = arith.constant 0 : i32
      %dma_start3A_209 = arith.constant 0 : i32
      %dma_start3A_210 = tpu.memref_slice %arg6[%dma_start3A_208, %dma_start3A_209] : memref<1000x128xf32, #tpu.memory_space<vmem_shared>> -> memref<1000x128xf32, #tpu.memory_space<vmem_shared>>
      tpu.enqueue_indirect_dma source(%dma_start3A_210 : memref<1000x128xf32, #tpu.memory_space<vmem_shared>>) target(%dma_start3A_206 : memref<128x128xf32, #tpu.memory_space<vmem>>) offsets(%dma_start3A_207 : memref<128xi32, #tpu.memory_space<vmem>>) semaphore(%arg11 : memref<!tpu.dma_semaphore, #tpu.memory_space<semaphore_mem>>)
      %mul3A_211 = arith.constant 2 : i32
      %mul3A_212 = arith.muli %add3A_188, %mul3A_211 : i32
      %add3A_213 = arith.constant 1 : i32
      %add3A_214 = arith.addi %mul3A_212, %add3A_213 : i32
      %mul3A_215 = arith.constant 128 : i32
      %mul3A_216 = arith.muli %add3A_214, %mul3A_215 : i32
      %dma_start3A_217 = arith.constant 128 : i32
      %dma_start3A_218 = arith.constant 0 : i32
      %dma_start3A_219 = tpu.memref_slice %arg7[%dma_start3A_217, %dma_start3A_218] : memref<256x128xf32, #tpu.memory_space<vmem>> -> memref<128x128xf32, #tpu.memory_space<vmem>>
      %dma_start3A_220 = tpu.memref_slice %arg5[%mul3A_216] : memref<3128xi32, #tpu.memory_space<vmem>> -> memref<128xi32, #tpu.memory_space<vmem>>
      %dma_start3A_221 = arith.constant 0 : i32
      %dma_start3A_222 = arith.constant 0 : i32
      %dma_start3A_223 = tpu.memref_slice %arg6[%dma_start3A_221, %dma_start3A_222] : memref<1000x128xf32, #tpu.memory_space<vmem_shared>> -> memref<1000x128xf32, #tpu.memory_space<vmem_shared>>
      tpu.enqueue_indirect_dma source(%dma_start3A_223 : memref<1000x128xf32, #tpu.memory_space<vmem_shared>>) target(%dma_start3A_219 : memref<128x128xf32, #tpu.memory_space<vmem>>) offsets(%dma_start3A_220 : memref<128xi32, #tpu.memory_space<vmem>>) semaphore(%arg11 : memref<!tpu.dma_semaphore, #tpu.memory_space<semaphore_mem>>)
      %dma_wait3A_224 = arith.constant 0 : i32
      %dma_wait3A_225 = arith.constant 0 : i32
      %dma_wait3A_226 = tpu.memref_slice %arg7[%dma_wait3A_224, %dma_wait3A_225] : memref<256x128xf32, #tpu.memory_space<vmem>> -> memref<128x128xf32, #tpu.memory_space<vmem>>
      %dma_wait3A_227 = tpu.memref_slice %arg5[%mul3A_203] : memref<3128xi32, #tpu.memory_space<vmem>> -> memref<128xi32, #tpu.memory_space<vmem>>
      %dma_wait3A_228 = arith.constant 0 : i32
      %dma_wait3A_229 = arith.constant 0 : i32
      %dma_wait3A_230 = tpu.memref_slice %arg6[%dma_wait3A_228, %dma_wait3A_229] : memref<1000x128xf32, #tpu.memory_space<vmem_shared>> -> memref<1000x128xf32, #tpu.memory_space<vmem_shared>>
      tpu.wait_indirect_dma semaphore(%arg11 : memref<!tpu.dma_semaphore, #tpu.memory_space<semaphore_mem>>) src(%dma_wait3A_230 : memref<1000x128xf32, #tpu.memory_space<vmem_shared>>) dst(%dma_wait3A_226 : memref<128x128xf32, #tpu.memory_space<vmem>>)
      %dma_wait3A_231 = arith.constant 128 : i32
      %dma_wait3A_232 = arith.constant 0 : i32
      %dma_wait3A_233 = tpu.memref_slice %arg7[%dma_wait3A_231, %dma_wait3A_232] : memref<256x128xf32, #tpu.memory_space<vmem>> -> memref<128x128xf32, #tpu.memory_space<vmem>>
      %dma_wait3A_234 = tpu.memref_slice %arg5[%mul3A_216] : memref<3128xi32, #tpu.memory_space<vmem>> -> memref<128xi32, #tpu.memory_space<vmem>>
      %dma_wait3A_235 = arith.constant 0 : i32
      %dma_wait3A_236 = arith.constant 0 : i32
      %dma_wait3A_237 = tpu.memref_slice %arg6[%dma_wait3A_235, %dma_wait3A_236] : memref<1000x128xf32, #tpu.memory_space<vmem_shared>> -> memref<1000x128xf32, #tpu.memory_space<vmem_shared>>
      tpu.wait_indirect_dma semaphore(%arg11 : memref<!tpu.dma_semaphore, #tpu.memory_space<semaphore_mem>>) src(%dma_wait3A_237 : memref<1000x128xf32, #tpu.memory_space<vmem_shared>>) dst(%dma_wait3A_233 : memref<128x128xf32, #tpu.memory_space<vmem>>)
      %mul3A_238 = arith.constant 256 : i32
      %mul3A_239 = arith.muli %add3A_188, %mul3A_238 : i32
      %add3A_240 = arith.addi %select_n3A, %mul3A_239 : i32
      %dma_start3A_241 = arith.constant 0 : i32
      %dma_start3A_242 = tpu.memref_slice %arg4[%add3A_240, %dma_start3A_241] : memref<100000x128xf32, #tpu.memory_space<hbm>> -> memref<256x128xf32, #tpu.memory_space<hbm>>
      %dma_start3A_243 = arith.constant 0 : i32
      %dma_start3A_244 = tpu.memref_slice %arg4[%add3A_240, %dma_start3A_243] : memref<100000x128xf32, #tpu.memory_space<hbm>> -> memref<256x128xf32, #tpu.memory_space<hbm>>
      tpu.enqueue_dma source(%arg7 : memref<256x128xf32, #tpu.memory_space<vmem>>) target(%dma_start3A_244 : memref<256x128xf32, #tpu.memory_space<hbm>>) target_semaphore(%arg14 : memref<!tpu.dma_semaphore, #tpu.memory_space<semaphore_mem>>)
      %mul3A_245 = arith.constant 3 : i32
      %mul3A_246 = arith.muli %scan3A_182, %mul3A_245 : i32
      %add3A_247 = arith.constant 3 : i32
      %add3A_248 = arith.addi %add3A_247, %mul3A_246 : i32
      %add3A_249 = arith.constant 1 : i32
      %add3A_250 = arith.addi %add3A_248, %add3A_249 : i32
      %sub3A_251 = arith.constant 3 : i32
      %sub3A_252 = arith.subi %add3A_250, %sub3A_251 : i32
      %mul3A_253 = arith.constant 256 : i32
      %mul3A_254 = arith.muli %sub3A_252, %mul3A_253 : i32
      %add3A_255 = arith.addi %select_n3A, %mul3A_254 : i32
      %dma_wait3A_256 = arith.constant 0 : i32
      %dma_wait3A_257 = tpu.memref_slice %arg4[%add3A_255, %dma_wait3A_256] : memref<100000x128xf32, #tpu.memory_space<hbm>> -> memref<256x128xf32, #tpu.memory_space<hbm>>
      %dma_wait3A_258 = arith.constant 0 : i32
      %dma_wait3A_259 = tpu.memref_slice %arg4[%add3A_255, %dma_wait3A_258] : memref<100000x128xf32, #tpu.memory_space<hbm>> -> memref<256x128xf32, #tpu.memory_space<hbm>>
      tpu.wait_dma2 semaphore(%arg15 : memref<!tpu.dma_semaphore, #tpu.memory_space<semaphore_mem>>) src(%arg8 : memref<256x128xf32, #tpu.memory_space<vmem>>) dst(%dma_wait3A_259 : memref<256x128xf32, #tpu.memory_space<hbm>>)
      %mul3A_260 = arith.constant 2 : i32
      %mul3A_261 = arith.muli %add3A_250, %mul3A_260 : i32
      %add3A_262 = arith.constant 0 : i32
      %add3A_263 = arith.addi %mul3A_261, %add3A_262 : i32
      %mul3A_264 = arith.constant 128 : i32
      %mul3A_265 = arith.muli %add3A_263, %mul3A_264 : i32
      %dma_start3A_266 = arith.constant 0 : i32
      %dma_start3A_267 = arith.constant 0 : i32
      %dma_start3A_268 = tpu.memref_slice %arg8[%dma_start3A_266, %dma_start3A_267] : memref<256x128xf32, #tpu.memory_space<vmem>> -> memref<128x128xf32, #tpu.memory_space<vmem>>
      %dma_start3A_269 = tpu.memref_slice %arg5[%mul3A_265] : memref<3128xi32, #tpu.memory_space<vmem>> -> memref<128xi32, #tpu.memory_space<vmem>>
      %dma_start3A_270 = arith.constant 0 : i32
      %dma_start3A_271 = arith.constant 0 : i32
      %dma_start3A_272 = tpu.memref_slice %arg6[%dma_start3A_270, %dma_start3A_271] : memref<1000x128xf32, #tpu.memory_space<vmem_shared>> -> memref<1000x128xf32, #tpu.memory_space<vmem_shared>>
      tpu.enqueue_indirect_dma source(%dma_start3A_272 : memref<1000x128xf32, #tpu.memory_space<vmem_shared>>) target(%dma_start3A_268 : memref<128x128xf32, #tpu.memory_space<vmem>>) offsets(%dma_start3A_269 : memref<128xi32, #tpu.memory_space<vmem>>) semaphore(%arg12 : memref<!tpu.dma_semaphore, #tpu.memory_space<semaphore_mem>>)
      %mul3A_273 = arith.constant 2 : i32
      %mul3A_274 = arith.muli %add3A_250, %mul3A_273 : i32
      %add3A_275 = arith.constant 1 : i32
      %add3A_276 = arith.addi %mul3A_274, %add3A_275 : i32
      %mul3A_277 = arith.constant 128 : i32
      %mul3A_278 = arith.muli %add3A_276, %mul3A_277 : i32
      %dma_start3A_279 = arith.constant 128 : i32
      %dma_start3A_280 = arith.constant 0 : i32
      %dma_start3A_281 = tpu.memref_slice %arg8[%dma_start3A_279, %dma_start3A_280] : memref<256x128xf32, #tpu.memory_space<vmem>> -> memref<128x128xf32, #tpu.memory_space<vmem>>
      %dma_start3A_282 = tpu.memref_slice %arg5[%mul3A_278] : memref<3128xi32, #tpu.memory_space<vmem>> -> memref<128xi32, #tpu.memory_space<vmem>>
      %dma_start3A_283 = arith.constant 0 : i32
      %dma_start3A_284 = arith.constant 0 : i32
      %dma_start3A_285 = tpu.memref_slice %arg6[%dma_start3A_283, %dma_start3A_284] : memref<1000x128xf32, #tpu.memory_space<vmem_shared>> -> memref<1000x128xf32, #tpu.memory_space<vmem_shared>>
      tpu.enqueue_indirect_dma source(%dma_start3A_285 : memref<1000x128xf32, #tpu.memory_space<vmem_shared>>) target(%dma_start3A_281 : memref<128x128xf32, #tpu.memory_space<vmem>>) offsets(%dma_start3A_282 : memref<128xi32, #tpu.memory_space<vmem>>) semaphore(%arg12 : memref<!tpu.dma_semaphore, #tpu.memory_space<semaphore_mem>>)
      %dma_wait3A_286 = arith.constant 0 : i32
      %dma_wait3A_287 = arith.constant 0 : i32
      %dma_wait3A_288 = tpu.memref_slice %arg8[%dma_wait3A_286, %dma_wait3A_287] : memref<256x128xf32, #tpu.memory_space<vmem>> -> memref<128x128xf32, #tpu.memory_space<vmem>>
      %dma_wait3A_289 = tpu.memref_slice %arg5[%mul3A_265] : memref<3128xi32, #tpu.memory_space<vmem>> -> memref<128xi32, #tpu.memory_space<vmem>>
      %dma_wait3A_290 = arith.constant 0 : i32
      %dma_wait3A_291 = arith.constant 0 : i32
      %dma_wait3A_292 = tpu.memref_slice %arg6[%dma_wait3A_290, %dma_wait3A_291] : memref<1000x128xf32, #tpu.memory_space<vmem_shared>> -> memref<1000x128xf32, #tpu.memory_space<vmem_shared>>
      tpu.wait_indirect_dma semaphore(%arg12 : memref<!tpu.dma_semaphore, #tpu.memory_space<semaphore_mem>>) src(%dma_wait3A_292 : memref<1000x128xf32, #tpu.memory_space<vmem_shared>>) dst(%dma_wait3A_288 : memref<128x128xf32, #tpu.memory_space<vmem>>)
      %dma_wait3A_293 = arith.constant 128 : i32
      %dma_wait3A_294 = arith.constant 0 : i32
      %dma_wait3A_295 = tpu.memref_slice %arg8[%dma_wait3A_293, %dma_wait3A_294] : memref<256x128xf32, #tpu.memory_space<vmem>> -> memref<128x128xf32, #tpu.memory_space<vmem>>
      %dma_wait3A_296 = tpu.memref_slice %arg5[%mul3A_278] : memref<3128xi32, #tpu.memory_space<vmem>> -> memref<128xi32, #tpu.memory_space<vmem>>
      %dma_wait3A_297 = arith.constant 0 : i32
      %dma_wait3A_298 = arith.constant 0 : i32
      %dma_wait3A_299 = tpu.memref_slice %arg6[%dma_wait3A_297, %dma_wait3A_298] : memref<1000x128xf32, #tpu.memory_space<vmem_shared>> -> memref<1000x128xf32, #tpu.memory_space<vmem_shared>>
      tpu.wait_indirect_dma semaphore(%arg12 : memref<!tpu.dma_semaphore, #tpu.memory_space<semaphore_mem>>) src(%dma_wait3A_299 : memref<1000x128xf32, #tpu.memory_space<vmem_shared>>) dst(%dma_wait3A_295 : memref<128x128xf32, #tpu.memory_space<vmem>>)
      %mul3A_300 = arith.constant 256 : i32
      %mul3A_301 = arith.muli %add3A_250, %mul3A_300 : i32
      %add3A_302 = arith.addi %select_n3A, %mul3A_301 : i32
      %dma_start3A_303 = arith.constant 0 : i32
      %dma_start3A_304 = tpu.memref_slice %arg4[%add3A_302, %dma_start3A_303] : memref<100000x128xf32, #tpu.memory_space<hbm>> -> memref<256x128xf32, #tpu.memory_space<hbm>>
      %dma_start3A_305 = arith.constant 0 : i32
      %dma_start3A_306 = tpu.memref_slice %arg4[%add3A_302, %dma_start3A_305] : memref<100000x128xf32, #tpu.memory_space<hbm>> -> memref<256x128xf32, #tpu.memory_space<hbm>>
      tpu.enqueue_dma source(%arg8 : memref<256x128xf32, #tpu.memory_space<vmem>>) target(%dma_start3A_306 : memref<256x128xf32, #tpu.memory_space<hbm>>) target_semaphore(%arg15 : memref<!tpu.dma_semaphore, #tpu.memory_space<semaphore_mem>>)
      %mul3A_307 = arith.constant 3 : i32
      %mul3A_308 = arith.muli %scan3A_182, %mul3A_307 : i32
      %add3A_309 = arith.constant 3 : i32
      %add3A_310 = arith.addi %add3A_309, %mul3A_308 : i32
      %add3A_311 = arith.constant 2 : i32
      %add3A_312 = arith.addi %add3A_310, %add3A_311 : i32
      %sub3A_313 = arith.constant 3 : i32
      %sub3A_314 = arith.subi %add3A_312, %sub3A_313 : i32
      %mul3A_315 = arith.constant 256 : i32
      %mul3A_316 = arith.muli %sub3A_314, %mul3A_315 : i32
      %add3A_317 = arith.addi %select_n3A, %mul3A_316 : i32
      %dma_wait3A_318 = arith.constant 0 : i32
      %dma_wait3A_319 = tpu.memref_slice %arg4[%add3A_317, %dma_wait3A_318] : memref<100000x128xf32, #tpu.memory_space<hbm>> -> memref<256x128xf32, #tpu.memory_space<hbm>>
      %dma_wait3A_320 = arith.constant 0 : i32
      %dma_wait3A_321 = tpu.memref_slice %arg4[%add3A_317, %dma_wait3A_320] : memref<100000x128xf32, #tpu.memory_space<hbm>> -> memref<256x128xf32, #tpu.memory_space<hbm>>
      tpu.wait_dma2 semaphore(%arg16 : memref<!tpu.dma_semaphore, #tpu.memory_space<semaphore_mem>>) src(%arg9 : memref<256x128xf32, #tpu.memory_space<vmem>>) dst(%dma_wait3A_321 : memref<256x128xf32, #tpu.memory_space<hbm>>)
      %mul3A_322 = arith.constant 2 : i32
      %mul3A_323 = arith.muli %add3A_312, %mul3A_322 : i32
      %add3A_324 = arith.constant 0 : i32
      %add3A_325 = arith.addi %mul3A_323, %add3A_324 : i32
      %mul3A_326 = arith.constant 128 : i32
      %mul3A_327 = arith.muli %add3A_325, %mul3A_326 : i32
      %dma_start3A_328 = arith.constant 0 : i32
      %dma_start3A_329 = arith.constant 0 : i32
      %dma_start3A_330 = tpu.memref_slice %arg9[%dma_start3A_328, %dma_start3A_329] : memref<256x128xf32, #tpu.memory_space<vmem>> -> memref<128x128xf32, #tpu.memory_space<vmem>>
      %dma_start3A_331 = tpu.memref_slice %arg5[%mul3A_327] : memref<3128xi32, #tpu.memory_space<vmem>> -> memref<128xi32, #tpu.memory_space<vmem>>
      %dma_start3A_332 = arith.constant 0 : i32
      %dma_start3A_333 = arith.constant 0 : i32
      %dma_start3A_334 = tpu.memref_slice %arg6[%dma_start3A_332, %dma_start3A_333] : memref<1000x128xf32, #tpu.memory_space<vmem_shared>> -> memref<1000x128xf32, #tpu.memory_space<vmem_shared>>
      tpu.enqueue_indirect_dma source(%dma_start3A_334 : memref<1000x128xf32, #tpu.memory_space<vmem_shared>>) target(%dma_start3A_330 : memref<128x128xf32, #tpu.memory_space<vmem>>) offsets(%dma_start3A_331 : memref<128xi32, #tpu.memory_space<vmem>>) semaphore(%arg13 : memref<!tpu.dma_semaphore, #tpu.memory_space<semaphore_mem>>)
      %mul3A_335 = arith.constant 2 : i32
      %mul3A_336 = arith.muli %add3A_312, %mul3A_335 : i32
      %add3A_337 = arith.constant 1 : i32
      %add3A_338 = arith.addi %mul3A_336, %add3A_337 : i32
      %mul3A_339 = arith.constant 128 : i32
      %mul3A_340 = arith.muli %add3A_338, %mul3A_339 : i32
      %dma_start3A_341 = arith.constant 128 : i32
      %dma_start3A_342 = arith.constant 0 : i32
      %dma_start3A_343 = tpu.memref_slice %arg9[%dma_start3A_341, %dma_start3A_342] : memref<256x128xf32, #tpu.memory_space<vmem>> -> memref<128x128xf32, #tpu.memory_space<vmem>>
      %dma_start3A_344 = tpu.memref_slice %arg5[%mul3A_340] : memref<3128xi32, #tpu.memory_space<vmem>> -> memref<128xi32, #tpu.memory_space<vmem>>
      %dma_start3A_345 = arith.constant 0 : i32
      %dma_start3A_346 = arith.constant 0 : i32
      %dma_start3A_347 = tpu.memref_slice %arg6[%dma_start3A_345, %dma_start3A_346] : memref<1000x128xf32, #tpu.memory_space<vmem_shared>> -> memref<1000x128xf32, #tpu.memory_space<vmem_shared>>
      tpu.enqueue_indirect_dma source(%dma_start3A_347 : memref<1000x128xf32, #tpu.memory_space<vmem_shared>>) target(%dma_start3A_343 : memref<128x128xf32, #tpu.memory_space<vmem>>) offsets(%dma_start3A_344 : memref<128xi32, #tpu.memory_space<vmem>>) semaphore(%arg13 : memref<!tpu.dma_semaphore, #tpu.memory_space<semaphore_mem>>)
      %dma_wait3A_348 = arith.constant 0 : i32
      %dma_wait3A_349 = arith.constant 0 : i32
      %dma_wait3A_350 = tpu.memref_slice %arg9[%dma_wait3A_348, %dma_wait3A_349] : memref<256x128xf32, #tpu.memory_space<vmem>> -> memref<128x128xf32, #tpu.memory_space<vmem>>
      %dma_wait3A_351 = tpu.memref_slice %arg5[%mul3A_327] : memref<3128xi32, #tpu.memory_space<vmem>> -> memref<128xi32, #tpu.memory_space<vmem>>
      %dma_wait3A_352 = arith.constant 0 : i32
      %dma_wait3A_353 = arith.constant 0 : i32
      %dma_wait3A_354 = tpu.memref_slice %arg6[%dma_wait3A_352, %dma_wait3A_353] : memref<1000x128xf32, #tpu.memory_space<vmem_shared>> -> memref<1000x128xf32, #tpu.memory_space<vmem_shared>>
      tpu.wait_indirect_dma semaphore(%arg13 : memref<!tpu.dma_semaphore, #tpu.memory_space<semaphore_mem>>) src(%dma_wait3A_354 : memref<1000x128xf32, #tpu.memory_space<vmem_shared>>) dst(%dma_wait3A_350 : memref<128x128xf32, #tpu.memory_space<vmem>>)
      %dma_wait3A_355 = arith.constant 128 : i32
      %dma_wait3A_356 = arith.constant 0 : i32
      %dma_wait3A_357 = tpu.memref_slice %arg9[%dma_wait3A_355, %dma_wait3A_356] : memref<256x128xf32, #tpu.memory_space<vmem>> -> memref<128x128xf32, #tpu.memory_space<vmem>>
      %dma_wait3A_358 = tpu.memref_slice %arg5[%mul3A_340] : memref<3128xi32, #tpu.memory_space<vmem>> -> memref<128xi32, #tpu.memory_space<vmem>>
      %dma_wait3A_359 = arith.constant 0 : i32
      %dma_wait3A_360 = arith.constant 0 : i32
      %dma_wait3A_361 = tpu.memref_slice %arg6[%dma_wait3A_359, %dma_wait3A_360] : memref<1000x128xf32, #tpu.memory_space<vmem_shared>> -> memref<1000x128xf32, #tpu.memory_space<vmem_shared>>
      tpu.wait_indirect_dma semaphore(%arg13 : memref<!tpu.dma_semaphore, #tpu.memory_space<semaphore_mem>>) src(%dma_wait3A_361 : memref<1000x128xf32, #tpu.memory_space<vmem_shared>>) dst(%dma_wait3A_357 : memref<128x128xf32, #tpu.memory_space<vmem>>)
      %mul3A_362 = arith.constant 256 : i32
      %mul3A_363 = arith.muli %add3A_312, %mul3A_362 : i32
      %add3A_364 = arith.addi %select_n3A, %mul3A_363 : i32
      %dma_start3A_365 = arith.constant 0 : i32
      %dma_start3A_366 = tpu.memref_slice %arg4[%add3A_364, %dma_start3A_365] : memref<100000x128xf32, #tpu.memory_space<hbm>> -> memref<256x128xf32, #tpu.memory_space<hbm>>
      %dma_start3A_367 = arith.constant 0 : i32
      %dma_start3A_368 = tpu.memref_slice %arg4[%add3A_364, %dma_start3A_367] : memref<100000x128xf32, #tpu.memory_space<hbm>> -> memref<256x128xf32, #tpu.memory_space<hbm>>
      tpu.enqueue_dma source(%arg9 : memref<256x128xf32, #tpu.memory_space<vmem>>) target(%dma_start3A_368 : memref<256x128xf32, #tpu.memory_space<hbm>>) target_semaphore(%arg16 : memref<!tpu.dma_semaphore, #tpu.memory_space<semaphore_mem>>)
    }
    %scan3A_147 = arith.constant 3 : i32
    %convert_element_type3A_148 = arith.extui %lt3A_1 : i1 to i32
    %cond3A_149 = arith.constant 0 : i32
    %cond3A_150 = arith.cmpi ne, %convert_element_type3A_148, %cond3A_149 : i32
    scf.if %cond3A_150 {
      %dma_wait3A_182 = arith.constant 0 : i32
      %dma_wait3A_183 = arith.constant 0 : i32
      %dma_wait3A_184 = tpu.memref_slice %arg10[%dma_wait3A_182, %dma_wait3A_183] : memref<56x128xf32, #tpu.memory_space<vmem>> -> memref<56x128xf32, #tpu.memory_space<vmem>>
      %dma_wait3A_185 = arith.constant 3072 : i32
      %dma_wait3A_186 = tpu.memref_slice %arg5[%dma_wait3A_185] : memref<3128xi32, #tpu.memory_space<vmem>> -> memref<56xi32, #tpu.memory_space<vmem>>
      %dma_wait3A_187 = arith.constant 0 : i32
      %dma_wait3A_188 = arith.constant 0 : i32
      %dma_wait3A_189 = tpu.memref_slice %arg6[%dma_wait3A_187, %dma_wait3A_188] : memref<1000x128xf32, #tpu.memory_space<vmem_shared>> -> memref<1000x128xf32, #tpu.memory_space<vmem_shared>>
      tpu.wait_indirect_dma semaphore(%arg17 : memref<!tpu.dma_semaphore, #tpu.memory_space<semaphore_mem>>) src(%dma_wait3A_189 : memref<1000x128xf32, #tpu.memory_space<vmem_shared>>) dst(%dma_wait3A_184 : memref<56x128xf32, #tpu.memory_space<vmem>>)
      %add3A_190 = arith.constant 3072 : i32
      %add3A_191 = arith.addi %select_n3A, %add3A_190 : i32
      %dma_start3A_192 = arith.constant 0 : i32
      %dma_start3A_193 = arith.constant 0 : i32
      %dma_start3A_194 = tpu.memref_slice %arg10[%dma_start3A_192, %dma_start3A_193] : memref<56x128xf32, #tpu.memory_space<vmem>> -> memref<56x128xf32, #tpu.memory_space<vmem>>
      %dma_start3A_195 = arith.constant 0 : i32
      %dma_start3A_196 = tpu.memref_slice %arg4[%add3A_191, %dma_start3A_195] : memref<100000x128xf32, #tpu.memory_space<hbm>> -> memref<56x128xf32, #tpu.memory_space<hbm>>
      %dma_start3A_197 = arith.constant 0 : i32
      %dma_start3A_198 = tpu.memref_slice %arg4[%add3A_191, %dma_start3A_197] : memref<100000x128xf32, #tpu.memory_space<hbm>> -> memref<56x128xf32, #tpu.memory_space<hbm>>
      %dma_start3A_199 = arith.constant 0 : i32
      %dma_start3A_200 = arith.constant 0 : i32
      %dma_start3A_201 = tpu.memref_slice %arg10[%dma_start3A_199, %dma_start3A_200] : memref<56x128xf32, #tpu.memory_space<vmem>> -> memref<56x128xf32, #tpu.memory_space<vmem>>
      tpu.enqueue_dma source(%dma_start3A_201 : memref<56x128xf32, #tpu.memory_space<vmem>>) target(%dma_start3A_198 : memref<56x128xf32, #tpu.memory_space<hbm>>) target_semaphore(%arg18 : memref<!tpu.dma_semaphore, #tpu.memory_space<semaphore_mem>>)
    } else {
    }
    %not3A_151 = arith.constant true
    %not3A_152 = arith.xori %lt3A_1, %not3A_151 : i1
    %convert_element_type3A_153 = arith.extui %not3A_152 : i1 to i32
    %cond3A_154 = arith.constant 0 : i32
    %cond3A_155 = arith.cmpi ne, %convert_element_type3A_153, %cond3A_154 : i32
    scf.if %cond3A_155 {
      %dma_wait3A_182 = arith.constant 0 : i32
      %dma_wait3A_183 = arith.constant 0 : i32
      %dma_wait3A_184 = tpu.memref_slice %arg10[%dma_wait3A_182, %dma_wait3A_183] : memref<56x128xf32, #tpu.memory_space<vmem>> -> memref<32x128xf32, #tpu.memory_space<vmem>>
      %dma_wait3A_185 = arith.constant 3072 : i32
      %dma_wait3A_186 = tpu.memref_slice %arg5[%dma_wait3A_185] : memref<3128xi32, #tpu.memory_space<vmem>> -> memref<32xi32, #tpu.memory_space<vmem>>
      %dma_wait3A_187 = arith.constant 0 : i32
      %dma_wait3A_188 = arith.constant 0 : i32
      %dma_wait3A_189 = tpu.memref_slice %arg6[%dma_wait3A_187, %dma_wait3A_188] : memref<1000x128xf32, #tpu.memory_space<vmem_shared>> -> memref<1000x128xf32, #tpu.memory_space<vmem_shared>>
      tpu.wait_indirect_dma semaphore(%arg17 : memref<!tpu.dma_semaphore, #tpu.memory_space<semaphore_mem>>) src(%dma_wait3A_189 : memref<1000x128xf32, #tpu.memory_space<vmem_shared>>) dst(%dma_wait3A_184 : memref<32x128xf32, #tpu.memory_space<vmem>>)
      %add3A_190 = arith.constant 3072 : i32
      %add3A_191 = arith.addi %select_n3A, %add3A_190 : i32
      %dma_start3A_192 = arith.constant 0 : i32
      %dma_start3A_193 = arith.constant 0 : i32
      %dma_start3A_194 = tpu.memref_slice %arg10[%dma_start3A_192, %dma_start3A_193] : memref<56x128xf32, #tpu.memory_space<vmem>> -> memref<32x128xf32, #tpu.memory_space<vmem>>
      %dma_start3A_195 = arith.constant 0 : i32
      %dma_start3A_196 = tpu.memref_slice %arg4[%add3A_191, %dma_start3A_195] : memref<100000x128xf32, #tpu.memory_space<hbm>> -> memref<32x128xf32, #tpu.memory_space<hbm>>
      %dma_start3A_197 = arith.constant 0 : i32
      %dma_start3A_198 = tpu.memref_slice %arg4[%add3A_191, %dma_start3A_197] : memref<100000x128xf32, #tpu.memory_space<hbm>> -> memref<32x128xf32, #tpu.memory_space<hbm>>
      %dma_start3A_199 = arith.constant 0 : i32
      %dma_start3A_200 = arith.constant 0 : i32
      %dma_start3A_201 = tpu.memref_slice %arg10[%dma_start3A_199, %dma_start3A_200] : memref<56x128xf32, #tpu.memory_space<vmem>> -> memref<32x128xf32, #tpu.memory_space<vmem>>
      tpu.enqueue_dma source(%dma_start3A_201 : memref<32x128xf32, #tpu.memory_space<vmem>>) target(%dma_start3A_198 : memref<32x128xf32, #tpu.memory_space<hbm>>) target_semaphore(%arg18 : memref<!tpu.dma_semaphore, #tpu.memory_space<semaphore_mem>>)
    } else {
    }
    %add3A_156 = arith.constant 2304 : i32
    %add3A_157 = arith.addi %select_n3A, %add3A_156 : i32
    %dma_wait3A_158 = arith.constant 0 : i32
    %dma_wait3A_159 = tpu.memref_slice %arg4[%add3A_157, %dma_wait3A_158] : memref<100000x128xf32, #tpu.memory_space<hbm>> -> memref<256x128xf32, #tpu.memory_space<hbm>>
    %dma_wait3A_160 = arith.constant 0 : i32
    %dma_wait3A_161 = tpu.memref_slice %arg4[%add3A_157, %dma_wait3A_160] : memref<100000x128xf32, #tpu.memory_space<hbm>> -> memref<256x128xf32, #tpu.memory_space<hbm>>
    tpu.wait_dma2 semaphore(%arg14 : memref<!tpu.dma_semaphore, #tpu.memory_space<semaphore_mem>>) src(%arg7 : memref<256x128xf32, #tpu.memory_space<vmem>>) dst(%dma_wait3A_161 : memref<256x128xf32, #tpu.memory_space<hbm>>)
    %add3A_162 = arith.constant 2560 : i32
    %add3A_163 = arith.addi %select_n3A, %add3A_162 : i32
    %dma_wait3A_164 = arith.constant 0 : i32
    %dma_wait3A_165 = tpu.memref_slice %arg4[%add3A_163, %dma_wait3A_164] : memref<100000x128xf32, #tpu.memory_space<hbm>> -> memref<256x128xf32, #tpu.memory_space<hbm>>
    %dma_wait3A_166 = arith.constant 0 : i32
    %dma_wait3A_167 = tpu.memref_slice %arg4[%add3A_163, %dma_wait3A_166] : memref<100000x128xf32, #tpu.memory_space<hbm>> -> memref<256x128xf32, #tpu.memory_space<hbm>>
    tpu.wait_dma2 semaphore(%arg15 : memref<!tpu.dma_semaphore, #tpu.memory_space<semaphore_mem>>) src(%arg8 : memref<256x128xf32, #tpu.memory_space<vmem>>) dst(%dma_wait3A_167 : memref<256x128xf32, #tpu.memory_space<hbm>>)
    %add3A_168 = arith.constant 2816 : i32
    %add3A_169 = arith.addi %select_n3A, %add3A_168 : i32
    %dma_wait3A_170 = arith.constant 0 : i32
    %dma_wait3A_171 = tpu.memref_slice %arg4[%add3A_169, %dma_wait3A_170] : memref<100000x128xf32, #tpu.memory_space<hbm>> -> memref<256x128xf32, #tpu.memory_space<hbm>>
    %dma_wait3A_172 = arith.constant 0 : i32
    %dma_wait3A_173 = tpu.memref_slice %arg4[%add3A_169, %dma_wait3A_172] : memref<100000x128xf32, #tpu.memory_space<hbm>> -> memref<256x128xf32, #tpu.memory_space<hbm>>
    tpu.wait_dma2 semaphore(%arg16 : memref<!tpu.dma_semaphore, #tpu.memory_space<semaphore_mem>>) src(%arg9 : memref<256x128xf32, #tpu.memory_space<vmem>>) dst(%dma_wait3A_173 : memref<256x128xf32, #tpu.memory_space<hbm>>)
    %convert_element_type3A_174 = arith.extui %lt3A_1 : i1 to i32
    %cond3A_175 = arith.constant 0 : i32
    %cond3A_176 = arith.cmpi ne, %convert_element_type3A_174, %cond3A_175 : i32
    scf.if %cond3A_176 {
      %add3A_182 = arith.constant 3072 : i32
      %add3A_183 = arith.addi %select_n3A, %add3A_182 : i32
      %dma_wait3A_184 = arith.constant 0 : i32
      %dma_wait3A_185 = arith.constant 0 : i32
      %dma_wait3A_186 = tpu.memref_slice %arg10[%dma_wait3A_184, %dma_wait3A_185] : memref<56x128xf32, #tpu.memory_space<vmem>> -> memref<56x128xf32, #tpu.memory_space<vmem>>
      %dma_wait3A_187 = arith.constant 0 : i32
      %dma_wait3A_188 = tpu.memref_slice %arg4[%add3A_183, %dma_wait3A_187] : memref<100000x128xf32, #tpu.memory_space<hbm>> -> memref<56x128xf32, #tpu.memory_space<hbm>>
      %dma_wait3A_189 = arith.constant 0 : i32
      %dma_wait3A_190 = tpu.memref_slice %arg4[%add3A_183, %dma_wait3A_189] : memref<100000x128xf32, #tpu.memory_space<hbm>> -> memref<56x128xf32, #tpu.memory_space<hbm>>
      %dma_wait3A_191 = arith.constant 0 : i32
      %dma_wait3A_192 = arith.constant 0 : i32
      %dma_wait3A_193 = tpu.memref_slice %arg10[%dma_wait3A_191, %dma_wait3A_192] : memref<56x128xf32, #tpu.memory_space<vmem>> -> memref<56x128xf32, #tpu.memory_space<vmem>>
      tpu.wait_dma2 semaphore(%arg18 : memref<!tpu.dma_semaphore, #tpu.memory_space<semaphore_mem>>) src(%dma_wait3A_193 : memref<56x128xf32, #tpu.memory_space<vmem>>) dst(%dma_wait3A_190 : memref<56x128xf32, #tpu.memory_space<hbm>>)
    } else {
    }
    %not3A_177 = arith.constant true
    %not3A_178 = arith.xori %lt3A_1, %not3A_177 : i1
    %convert_element_type3A_179 = arith.extui %not3A_178 : i1 to i32
    %cond3A_180 = arith.constant 0 : i32
    %cond3A_181 = arith.cmpi ne, %convert_element_type3A_179, %cond3A_180 : i32
    scf.if %cond3A_181 {
      %add3A_182 = arith.constant 3072 : i32
      %add3A_183 = arith.addi %select_n3A, %add3A_182 : i32
      %dma_wait3A_184 = arith.constant 0 : i32
      %dma_wait3A_185 = arith.constant 0 : i32
      %dma_wait3A_186 = tpu.memref_slice %arg10[%dma_wait3A_184, %dma_wait3A_185] : memref<56x128xf32, #tpu.memory_space<vmem>> -> memref<32x128xf32, #tpu.memory_space<vmem>>
      %dma_wait3A_187 = arith.constant 0 : i32
      %dma_wait3A_188 = tpu.memref_slice %arg4[%add3A_183, %dma_wait3A_187] : memref<100000x128xf32, #tpu.memory_space<hbm>> -> memref<32x128xf32, #tpu.memory_space<hbm>>
      %dma_wait3A_189 = arith.constant 0 : i32
      %dma_wait3A_190 = tpu.memref_slice %arg4[%add3A_183, %dma_wait3A_189] : memref<100000x128xf32, #tpu.memory_space<hbm>> -> memref<32x128xf32, #tpu.memory_space<hbm>>
      %dma_wait3A_191 = arith.constant 0 : i32
      %dma_wait3A_192 = arith.constant 0 : i32
      %dma_wait3A_193 = tpu.memref_slice %arg10[%dma_wait3A_191, %dma_wait3A_192] : memref<56x128xf32, #tpu.memory_space<vmem>> -> memref<32x128xf32, #tpu.memory_space<vmem>>
      tpu.wait_dma2 semaphore(%arg18 : memref<!tpu.dma_semaphore, #tpu.memory_space<semaphore_mem>>) src(%dma_wait3A_193 : memref<32x128xf32, #tpu.memory_space<vmem>>) dst(%dma_wait3A_190 : memref<32x128xf32, #tpu.memory_space<hbm>>)
    } else {
    }
    return
  }
}

module attributes {stable_mosaic.version = 14 : i64} {
  func.func @_table_kernel(%arg0: memref<1000x128xf32, #tpu.memory_space<vmem>>, %arg1: memref<128x128xf32, #tpu.memory_space<vmem>>, %arg2: memref<1x128xf32, #tpu.memory_space<vmem>>, %arg3: memref<1000x128xf32, #tpu.memory_space<vmem>>) attributes {dimension_semantics = [], scalar_prefetch = 0 : i64, scratch_operands = 0 : i64, tpu.core_type = #tpu.core_type<tc>} {
    %get3A = arith.constant 0 : index
    %get3A_0 = arith.constant 0 : index
    %get3A_1 = vector.load %arg0[%get3A, %get3A_0] : memref<1000x128xf32, #tpu.memory_space<vmem>>, vector<1000x128xf32>
    %iota3A = tpu.iota {dimensions = array<i32: 0>} : vector<1000x128xi32>
    %eq3A = arith.constant 0 : i32
    %eq3A_2 = vector.broadcast %eq3A : i32 to vector<1000x128xi32>
    %eq3A_3 = arith.cmpi eq, %iota3A, %eq3A_2 : vector<1000x128xi32>
    %jit3A = arith.constant 0.000000e+00 : f32
    %broadcast_in_dim3A = vector.broadcast %jit3A : f32 to vector<1000x128xf32>
    %select_n3A = arith.select %eq3A_3, %broadcast_in_dim3A, %get3A_1 : vector<1000x128xi1>, vector<1000x128xf32>
    %max3A = arith.constant 0.000000e+00 : f32
    %max3A_4 = vector.broadcast %max3A : f32 to vector<1000x128xf32>
    %max3A_5 = arith.maximumf %select_n3A, %max3A_4 : vector<1000x128xf32>
    %get3A_6 = arith.constant 0 : index
    %get3A_7 = arith.constant 0 : index
    %get3A_8 = vector.load %arg1[%get3A_6, %get3A_7] : memref<128x128xf32, #tpu.memory_space<vmem>>, vector<128x128xf32>
    %dot_general3A = arith.constant dense<0.000000e+00> : vector<1000x128xf32>
    %dot_general3A_9 = tpu.matmul %max3A_5, %get3A_8, %dot_general3A {dimension_numbers = #tpu.dot_dimension_numbers<[1], [0], [0], [1], [0, 0, 1, 1], [], []>, transpose_lhs_hint = false} : vector<1000x128xf32>, vector<128x128xf32>, vector<1000x128xf32> -> vector<1000x128xf32>
    %get3A_10 = arith.constant 0 : index
    %get3A_11 = arith.constant 0 : index
    %get3A_12 = vector.load %arg2[%get3A_10, %get3A_11] : memref<1x128xf32, #tpu.memory_space<vmem>>, vector<1x128xf32>
    %add3A = vector.broadcast %get3A_12 : vector<1x128xf32> to vector<1000x128xf32>
    %add3A_13 = arith.addf %dot_general3A_9, %add3A : vector<1000x128xf32>
    %max3A_14 = arith.constant 0.000000e+00 : f32
    %max3A_15 = vector.broadcast %max3A_14 : f32 to vector<1000x128xf32>
    %max3A_16 = arith.maximumf %add3A_13, %max3A_15 : vector<1000x128xf32>
    %swap3A = arith.constant 0 : index
    %swap3A_17 = arith.constant 0 : index
    %swap3A_18 = vector.load %arg3[%swap3A, %swap3A_17] : memref<1000x128xf32, #tpu.memory_space<vmem>>, vector<1000x128xf32>
    tpu.vector_store %arg3[%swap3A, %swap3A_17], %max3A_16 {strides = array<i32>} : memref<1000x128xf32, #tpu.memory_space<vmem>>, vector<1000x128xf32>,
    return
  }
}

</mosaic_0001>

<sc_bundles>
// kernel: kernel.4.cloned.1.call-start
scs
__scs_entry_jumppad:
0x0: {  	(pc) =	sbr.rel $0x88, $3  }
0x1: {  	(tag) =	ssettag $0x0;
	lr =	simm.s32 $0x1  }
0x2: {  	[smem:$0x3F9D] =	sst lr;
	_ =	strace $0xD0000000  }
0x3: {  	_ = 	snop  }
0x4: {  	_ = 	snop  }
0x5: {  	_ = 	snop  }
0x6: {  	_ = 	snop  }
0x7: {  	_ = 	snop  }
__scs_overlays_trampoline_lowered:
0x8: {  	[smem:$0x3FAC] =	sst s0  }
0x9: {  	[smem:$0x3FAD] =	sst s1  }
0xa: {  	[smem:$0x3FAE] =	sst s2  }
0xb: {  	[smem:$0x3FAF] =	sst s3  }
0xc: {  	[smem:$0x3FB0] =	sst s4  }
0xd: {  	[smem:$0x3FB1] =	sst s5  }
0xe: {  	[smem:$0x3FB2] =	sst s6  }
0xf: {  	[smem:$0x3FB3] =	sst s7  }
0x10: {  	[smem:$0x3FB4] =	sst s8  }
0x11: {  	[smem:$0x3FB5] =	sst s9;
	s0 =	simm.s32 @!p0 $0x0  }
0x12: {  	s1 =	sld [smem:$0x3F9B];
	s0 =	simm.s32 @p0 $0x1  }
0x13: {  	[smem:$0x3FB6] =	sst s0;
	s0 =	simm.s32 @!p1 $0x0  }
0x14: {  	s2 =	sld [smem:$0x3F9A];
	s0 =	simm.s32 @p1 $0x1  }
0x15: {  	[smem:$0x3FB7] =	sst s0;
	s0 =	simm.s32 @!p2 $0x0  }
0x16: {  	s3 =	sld [smem:$0x3FDB];
	s0 =	simm.s32 @p2 $0x1  }
0x17: {  	s4 =	simm.s32 $0x1BF5;
	[smem:$0x3FB9] =	sst s0  }
0x18: {  	s0 =	sld [smem:$0x3F9C];
	_ =	swait.ge [sflag:s4], $0x0  }
0x19: {  	s7 =	sld [smem:$0x3F9D]  }
0x1a: {  	s8 =	sadd.s32 $0xFFFFE003, lr  }
0x1b: {  	s9 =	sadd.s32 $0xFFFFFEF7, lr;
	s5 =	simm.s32 $0xFFFFFFFF;
	p2 =	slt.u32 s8, $0xFFFFF086  }
0x1c: {  	p1 =	slt.u32 s9, $0xF7A;
	s5 =	simm.s32 @!p2 $0x0  }
0x1d: {  	s5 =	simm.s32 @p1 $0x1;
	p0 =	seq.s32 s7, s2  }
0x1e: {  	s7 =	smul.u32 @!p0 $0xF7A, s2;
	p2 =	seq.s32 @!p0 s5, $0x0  }
0x1f: {  	s9 =	smul.u32 $0xF7A, s1;
	s8 =	simm.s32 @!p0 $0x1BF5;
	p2 =	por !p2, p0  }
0x20: {  	[sflag:s8] =	ssyncset.s32 @!p0 $0xFFFFF086;
	s6 =	sadd.s32 @!p0 s3, s7;
	s7 =	simm.s32 @!p0 $0x108  }
0x21: {  	s3 =	sadd.s32 s3, s9;
	s6 =	sadd.s32 @!p0 $0x88, s6;
	s7 =	simm.s32 @p2 $0x1082  }
0x22: {  	[simem:s7], [sflag:s8] =	dma.local @!p0 [hbm:s6], $0xF7A  }
0x23: {  	s9 =	sor.u32 $0xD0000000, s2;
	s6 =	simm.s32 $0x108;
	_ =	swait.ge @!p0 [sflag:s8], $0x0  }
0x24: {  	s3 =	sadd.s32 $0x88, s3;
	s6 =	simm.s32 @!p1 $0x1082;
	[sflag:s4] =	ssyncset.s32 $0xFFFFF086  }
0x25: {  	[simem:s6], [sflag:s4] =	dma.local [hbm:s3], $0xF7A  }
0x26: {  	[smem:$0x3F9D] =	sst s1;
	(tag) =	ssettag s2;
	_ =	strace s9  }
0x27: {  	s1 =	sld [smem:$0x3FAD]  }
0x28: {  	s2 =	sld [smem:$0x3FAE]  }
0x29: {  	s4 =	sld [smem:$0x3FB0]  }
0x2a: {  	p0 =	seq.s32 s5, $0x0;
	s5 =	sld [smem:$0x3FB1]  }
0x2b: {  	s6 =	sld [smem:$0x3FB2]  }
0x2c: {  	s7 =	sld [smem:$0x3FB3]  }
0x2d: {  	s3 =	simm.s32 $0x108;
	s8 =	sld [smem:$0x3FB4]  }
0x2e: {  	s3 =	simm.s32 @!p0 $0x1082;
	s9 =	sld [smem:$0x3FB5]  }
0x2f: {  	lr =	sadd.s32 s0, s3;
	s0 =	sld [smem:$0x3FAC]  }
0x30: {  	s3 =	sld [smem:$0x3FAF]  }
0x31: {  	[smem:$0x3FB8] =	sst s10  }
0x32: {  	s10 =	sld [smem:$0x3FB6];
	_ =	sdelay $0x3  }
0x33: {  	p0 =	seq.s32 s10, $0x1;
	s10 =	sld [smem:$0x3FB8];
	_ =	sdelay $0x3  }
0x34: {  	[smem:$0x3FB8] =	sst s10  }
0x35: {  	s10 =	sld [smem:$0x3FB7];
	_ =	sdelay $0x3  }
0x36: {  	p1 =	seq.s32 s10, $0x1;
	s10 =	sld [smem:$0x3FB8];
	_ =	sdelay $0x3  }
0x37: {  	[smem:$0x3FB8] =	sst s10  }
0x38: {  	s10 =	sld [smem:$0x3FB9]  }
0x39: {  	_ = 	snop;
	(pc) =	sbr.ind lr, $3  }
0x3a: {  	_ = 	snop  }
0x3b: {  	_ = 	snop  }
0x3c: {  	p2 =	seq.s32 s10, $0x1;
	s10 =	sld [smem:$0x3FB8]  }
0x3d: {  	_ =	shalt  }
0x3e: {  	_ =	shalt  }
0x3f: {  	_ =	shalt  }
0x40: {  	_ =	shalt  }
0x41: {  	_ =	shalt  }
0x42: {  	_ =	shalt  }
0x43: {  	_ =	shalt  }
0x44: {  	_ =	shalt  }
0x45: {  	_ =	shalt  }
0x46: {  	_ =	shalt  }
0x47: {  	_ =	shalt  }
0x48: {  	_ =	shalt  }
0x49: {  	_ =	shalt  }
0x4a: {  	_ =	shalt  }
0x4b: {  	_ =	shalt  }
0x4c: {  	_ =	shalt  }
0x4d: {  	_ =	shalt  }
0x4e: {  	_ =	shalt  }
0x4f: {  	_ =	shalt  }
0x50: {  	_ =	shalt  }
0x51: {  	_ =	shalt  }
0x52: {  	_ =	shalt  }
0x53: {  	_ =	shalt  }
0x54: {  	_ =	shalt  }
0x55: {  	_ =	shalt  }
0x56: {  	_ =	shalt  }
0x57: {  	_ =	shalt  }
0x58: {  	_ =	shalt  }
0x59: {  	_ =	shalt  }
0x5a: {  	_ =	shalt  }
0x5b: {  	_ =	shalt  }
0x5c: {  	_ =	shalt  }
0x5d: {  	_ =	shalt  }
0x5e: {  	_ =	shalt  }
0x5f: {  	_ =	shalt  }
0x60: {  	_ =	shalt  }
0x61: {  	_ =	shalt  }
0x62: {  	_ =	shalt  }
0x63: {  	_ =	shalt  }
0x64: {  	_ =	shalt  }
0x65: {  	_ =	shalt  }
0x66: {  	_ =	shalt  }
0x67: {  	_ =	shalt  }
0x68: {  	_ =	shalt  }
0x69: {  	_ =	shalt  }
0x6a: {  	_ =	shalt  }
0x6b: {  	_ =	shalt  }
0x6c: {  	_ =	shalt  }
0x6d: {  	_ =	shalt  }
0x6e: {  	_ =	shalt  }
0x6f: {  	_ =	shalt  }
0x70: {  	_ =	shalt  }
0x71: {  	_ =	shalt  }
0x72: {  	_ =	shalt  }
0x73: {  	_ =	shalt  }
0x74: {  	_ =	shalt  }
0x75: {  	_ =	shalt  }
0x76: {  	_ =	shalt  }
0x77: {  	_ =	shalt  }
0x78: {  	_ =	shalt  }
0x79: {  	_ =	shalt  }
0x7a: {  	_ =	shalt  }
0x7b: {  	_ =	shalt  }
0x7c: {  	_ =	shalt  }
0x7d: {  	_ =	shalt  }
0x7e: {  	_ =	shalt  }
0x7f: {  	_ =	shalt  }
0x80: {  	_ =	shalt  }
0x81: {  	_ =	shalt  }
0x82: {  	_ =	shalt  }
0x83: {  	_ =	shalt  }
0x84: {  	_ =	shalt  }
0x85: {  	_ =	shalt  }
0x86: {  	_ =	shalt  }
0x87: {  	_ =	shalt  }
.Lfunc_end0:
.L_simem_size_0:
called_computation_lowered:
.L_overlay_start_0:
0x88: {  	s2 =	sld [smem:$0x3FD9]  }
0x89: {  	s3 =	sld [smem:$0x3FFE];
	_ =	sdelay $0x1  }
0x8a: {  	s1 =	srdreg.scid  }
0x8b: {  	s0 =	sand.u32 $0x1, s1  }
0x8c: {  	s17 =	sshll.u32 s0, $0xA;
	s2 =	sadd.s32 s3, s2  }
0x8d: {  	s2 =	sadd.s32 s2, s17  }
0x8e: {  	[smem:$0x3FC4] =	sst s2  }
0x8f: {  	_ = 	snop  }
0x90: {  	s2 =	sld [smem:$0x3FC9]  }
0x91: {  	s18 =	sld [smem:$0x3FD0];
	(tm) =	ssettm $0x1  }
0x92: {  	s4 =	sld [smem:$0x3FFB];
	_ =	sdelay $0x3  }
0x93: {  	_ =	strace s4  }
0x94: {  	s4 =	sld [smem:$0x3FFC];
	_ =	sdelay $0x3  }
0x95: {  	_ =	strace s4  }
0x96: {  	s4 =	sld [smem:$0x3FFD];
	_ =	sdelay $0x3  }
0x97: {  	_ =	strace s4  }
0x98: {  	_ =	strace $0x8FFFFFFF  }
0x99: {  	s19 =	sld [smem:$0x3FDB];
	_ =	sdelay $0x1  }
0x9a: {  	s5 =	simm.s32 $_scs_section_size  }
0x9b: {  	s6 =	simm.s32 $_size__tile_overlayer_lowered;
	s7 =	simm.s32 $_tile_overlayer_lowered  }
0x9c: {  	s22 =	simm.s32 $0x1BFF;
	s21 =	sshll.u32 s7, $0x1;
	s4 =	sadd.s32 s5, s19  }
0x9d: {  	s8 =	simm.s32 $0x0;
	s20 =	sshll.u32 s6, $0x1;
	s6 =	sadd.s32 s21, s4  }
0x9e: {  	[timem:s8], [sflag:s22] =	dma.local [hbm:s6], s20  }
0x9f: {  	_ =	swait.ge [sflag:s22], s20  }
0xa0: {  	s5 =	ssub.s32 $0x0, s20;
	[sflag:s22] =	ssyncset.done $0x0  }
0xa1: {  	[sflag:s22] =	ssyncadd.s32 s5;
	_ =	sdelay $0x1  }
0xa2: {  	s23 =	simm.s32 $0x1B8B  }
0xa3: {  	_ =	swait.ge [sflag:s23], $0x1  }
0xa4: {  	[sflag:s23] =	ssyncset.done $0x0  }
0xa5: {  	s25 =	simm.s32 $0x1B8E;
	s24 =	sld [smem:$0x3FFE];
	[sflag:s23] =	ssyncadd.s32 $0xFFFFFFFF  }
0xa6: {  	s26 =	simm.s32 $execute0_lowered;
	[smem:$0x3FD2] =	sst s25  }
0xa7: {  	s6 =	sshll.u32 s26, $0x1;
	_ =	strace $0x80000046;
	[dreg:$0x1] =	wrdreg $0xFFFFFFFF  }
0xa8: {  	s28 =	simm.s32 $_size_execute0_lowered;
	s4 =	sadd.s32 s4, s6;
	[dreg:$0x0] =	wrdreg $0x0  }
0xa9: {  	s6 =	sshll.u32 s28, $0x1;
	[dreg:$0x2] =	wrdreg s4  }
0xaa: {  	[dreg:$0x3] =	wrdreg s6  }
0xab: {  	[dreg:$0x4] =	wrdreg $0xC0  }
0xac: {  	_ =	task [dreg:s8], $0x5FFFF  }
0xad: {  	[dreg:$0x1] =	wrdreg $0xFFFFFFFF  }
0xae: {  	[dreg:$0x0] =	wrdreg $0x60  }
0xaf: {  	[dreg:$0x2] =	wrdreg s2  }
0xb0: {  	[dreg:$0x3] =	wrdreg s24  }
0xb1: {  	[dreg:$0x4] =	wrdreg s18  }
0xb2: {  	[dreg:$0x5] =	wrdreg $0xC800  }
0xb3: {  	[dreg:$0x6] =	wrdreg $0x9  }
0xb4: {  	_ =	task.clear_ibuf [dreg:s8], $0x7FFFF;
	_ =	strace $0x90000046  }
0xb5: {  	s29 =	simm.s32 $0x9;
	_ =	strace $0x80000048  }
0xb6: {  	_ =	swait.ge [sflag:s29], $0x1  }
0xb7: {  	[sflag:s29] =	ssyncadd.s32 $0xFFFFFFFF  }
0xb8: {  	_ =	strace $0x90000048  }
0xb9: {  	_ =	sfence  }
0xba: {  	s30 =	sld [smem:$0x0];
	_ =	sdelay $0x2  }
0xbb: {  	s31 =	sshll.u32 s1, $0xD;
	s1 =	sshrl.u32 s1, $0x2  }
0xbc: {  	s3 =	sand.u32 $0x4000, s31;
	s1 =	sadd.s32 s1, s30  }
0xbd: {  	s0 =	sor.u32 s3, s0;
	s1 =	sshll.u32 s1, $0x11  }
0xbe: {  	s0 =	sor.u32 s1, s0  }
0xbf: {  	s0 =	sadd.s32 $0x8F2B, s0  }
0xc0: {  	[sflag:s0] =	ssyncadd.remote.s32 $0x1  }
0xc1: {  	_ =	sfence.sel $0xFFFF  }
0xc2: {  	[dreg:$0x0] =	wrdreg $0xFFFFFFFF;
	(pc) =	sbr.abs _section_cstart, $3  }
0xc3: {  	[dreg:$0x1] =	wrdreg $0xFFFFFFFF  }
0xc4: {  	_ =	task.clear_ibuf [dreg:s8], $0x2FFFF;
	_ =	strace $0x9FFFFFFF  }
0xc5: {  	(tm) =	ssettm $0x7FFFFFFF  }
tec
execute0_lowered:
.L_overlay_start_1:
0x0: {  	(tag) =	ssettag $0x1  }
0x1: {  	s0 =	rddreg [dreg:$0x0]  }
0x2: {  	s1 =	srdreg.scid;
	s4 =	rddreg [dreg:$0x1]  }
0x3: {  	s3 =	stileid.u32;
	s7 =	rddreg [dreg:$0x2];
	s2 =	simm.s32 $0x0  }
0x4: {  	s28 =	simm.s32 $0x2BC0;
	s29 =	simm.s32 $0x6BC0;
	s30 =	simm.s32 $0x1  }
0x5: {  	s31 =	simm.s32 $0x3;
	s5 =	sand.u32 $0x1, s1;
	s1 =	rddreg [dreg:$0x3]  }
0x6: {  	s18 =	sshll.u32 s3, $0x1;
	[smem:$0x7FF] =	sst s2;
	p0 =	slt.u32 s3, $0xE  }
0x7: {  	s4 =	sadd.s32 $0xC00, s4;
	p1 =	sgt.u32 s3, $0xD;
	s6 =	sor.u32 s5, s18  }
0x8: {  	s5 =	ssub.s32 $0x2, s5;
	_ =	strace $0x80000047;
	[dreg:$0x5] =	wrdreg s4  }
0x9: {  	s26 =	sshrl.u32 s1, $0x3;
	s4 =	simm.s32 $0xEBC0;
	s8 =	smul.u32 $0xC20, s6  }
0xa: {  	s6 =	smul.u32 $0xC38, s6;
	s10 =	sshrl.u32 s5, $0x1;
	[dreg:$0x9] =	wrdreg s26  }
0xb: {  	s26 =	simm.s32 $0x80;
	s19 =	ssub.s32 s5, s10;
	s8 =	sadd.s32 $0x2A0, s8  }
0xc: {  	s21 =	sshrl.u32 s6, $0x3;
	s10 =	smax.u32 s19, $0x1;
	s9 =	sshrl.u32 s8, $0x3  }
0xd: {  	s8 =	smov.u32 @p0 s6;
	p0 =	sne.s32 s3, $0x0;
	s3 =	simm.s32 $0x5  }
0xe: {  	s8 =	sshll.u32 s8, $0x4;
	s20 =	sadd.s32 s0, s9;
	s0 =	sadd.s32 s0, s21  }
0xf: {  	s21 =	simm.s32 $0x4;
	[dreg:$0x6] =	wrdreg s20;
	s22 =	sand.u32 $0x1FFFFF80, s8  }
0x10: {  	[dreg:$0x7] =	wrdreg s0;
	s6 =	sadd.s32 s7, s8;
	s0 =	simm.s32 $0xABC0  }
0x11: {  	s20 =	simm.s32 $0x12BC0;
	s23 =	sadd.s32 s7, s22;
	s11 =	sadd.s32 $0x3000, s6  }
0x12: {  	s12 =	sadd.s32 $0x4000, s6;
	s13 =	sadd.s32 $0x5000, s6;
	s14 =	sadd.s32 $0x6000, s6  }
.Ltmp0:
0x13: {  	s15 =	sadd.s32 $0x7000, s6;
	s16 =	sadd.s32 $0x8000, s6;
	(pc) =	sbr.rel .LBB2_1-.Ltmp0, $4  }
0x14: {  	s17 =	sadd.s32 $0x9000, s6;
	s18 =	sadd.s32 $0xA000, s6;
	s19 =	sadd.s32 $0xB000, s6  }
0x15: {  	s22 =	simm.s32 $0x9;
	s24 =	sadd.s32 $0x1000, s23;
	s25 =	sadd.s32 $0x2000, s23  }
0x16: {  	s9 =	sadd.s32 $0xC000, s23;
	s23 =	simm.s32 $0x2;
	[dreg:$0x8] =	wrdreg s24  }
0x17: {  	[dreg:$0xa] =	wrdreg s25;
	s25 =	simm.s32 $0x16BC0;
	s24 =	simm.s32 $0x6  }
.LBB2_5:
0x18: {  	s5 =	rddreg [dreg:$0x6]  }
0x19: {  	[tilespmem:s2], [sflag:$0x9] =	stream.linear.gather [hbm4b:s5+s2], $0xC20, $0x38;
	[tilespmem:$0x1C7C0] =	vst v63  }
0x1a: {  	_ =	swait.ge [sflag:s22], $0xC20  }
0x1b: {  	[sflag:s22] =	ssyncset.done $0x0  }
0x1c: {  	s7 =	simm.s32 $0x1ABC0;
	s8 =	simm.s32 $0x20;
	[sflag:s22] =	ssyncadd.s32 $0xFFFFF3E0  }
0x1d: {  	p2 =	por $0x1, $0x1;
	s5 =	simm.s32 $0xC00;
	[bflag:$0x0] =	sbarrier.arrive $0xFFFF  }
0x1e: {  	[tilespmem:s7], [sflag:$0x7] =	stream.indirect.gather [spmem:s1], $0x80, s5, s8, $0xb8;
	[tilespmem:$0x1C7C0] =	vst v63  }
.LBB2_6:
0x1f: {  	[tilespmem:s28], [sflag:$0x1] =	stream.indirect.gather [spmem:s1], $0x80, s2, s26, $0xb8;
	[tilespmem:$0x1C7C0] =	vst v63  }
0x20: {  	_ = 	snop  }
0x21: {  	[tilespmem:s29], [sflag:$0x1] =	stream.indirect.gather [spmem:s1], $0x80, s26, s26, $0xb8;
	[tilespmem:$0x1C7C0] =	vst v63  }
0x22: {  	_ =	swait.ge [sflag:s30], $0x4000  }
0x23: {  	[sflag:s30] =	ssyncset.done $0x0  }
0x24: {  	[sflag:s30] =	ssyncadd.s32 $0xFFFFC000  }
0x25: {  	_ =	swait.ge [sflag:s30], $0x4000  }
0x26: {  	[sflag:s30] =	ssyncset.done $0x0  }
0x27: {  	[sflag:s30] =	ssyncadd.s32 $0xFFFFC000  }
0x28: {  	[hbm4b:s6+s2] =	stream.linear.scatter [tilespmem:s28], [sflag:$0x4], $0x8000, $0x38;
	[tilespmem:$0x1C7C0] =	vst v63  }
0x29: {  	s5 =	simm.s32 $0x100  }
0x2a: {  	[tilespmem:s0], [sflag:$0x2] =	stream.indirect.gather [spmem:s1], $0x80, s5, s26, $0xb8;
	[tilespmem:$0x1C7C0] =	vst v63  }
0x2b: {  	s8 =	simm.s32 $0x180  }
0x2c: {  	[tilespmem:s4], [sflag:$0x2] =	stream.indirect.gather [spmem:s1], $0x80, s8, s26, $0xb8;
	[tilespmem:$0x1C7C0] =	vst v63  }
0x2d: {  	_ =	swait.ge [sflag:s23], $0x4000  }
0x2e: {  	[sflag:s23] =	ssyncset.done $0x0  }
0x2f: {  	[sflag:s23] =	ssyncadd.s32 $0xFFFFC000  }
0x30: {  	_ =	swait.ge [sflag:s23], $0x4000  }
0x31: {  	[sflag:s23] =	ssyncset.done $0x0  }
0x32: {  	s7 =	rddreg [dreg:$0x8];
	[sflag:s23] =	ssyncadd.s32 $0xFFFFC000  }
0x33: {  	[hbm4b:s7+s2] =	stream.linear.scatter [tilespmem:s0], [sflag:$0x5], $0x8000, $0x38;
	[tilespmem:$0x1C7C0] =	vst v63  }
0x34: {  	s8 =	simm.s32 $0x200  }
0x35: {  	[tilespmem:s20], [sflag:$0x3] =	stream.indirect.gather [spmem:s1], $0x80, s8, s26, $0xb8;
	[tilespmem:$0x1C7C0] =	vst v63  }
0x36: {  	s7 =	simm.s32 $0x280  }
0x37: {  	[tilespmem:s25], [sflag:$0x3] =	stream.indirect.gather [spmem:s1], $0x80, s7, s26, $0xb8;
	[tilespmem:$0x1C7C0] =	vst v63  }
0x38: {  	_ =	swait.ge [sflag:s31], $0x4000  }
0x39: {  	[sflag:s31] =	ssyncset.done $0x0  }
0x3a: {  	[sflag:s31] =	ssyncadd.s32 $0xFFFFC000  }
0x3b: {  	_ =	swait.ge [sflag:s31], $0x4000  }
0x3c: {  	[sflag:s31] =	ssyncset.done $0x0  }
0x3d: {  	s8 =	rddreg [dreg:$0xa];
	[sflag:s31] =	ssyncadd.s32 $0xFFFFC000  }
0x3e: {  	[hbm4b:s8+s2] =	stream.linear.scatter [tilespmem:s20], [sflag:$0x6], $0x8000, $0x38;
	[tilespmem:$0x1C7C0] =	vst v63  }
0x3f: {  	_ =	swait.ge [sflag:s21], $0x8000  }
0x40: {  	[sflag:s21] =	ssyncset.done $0x0  }
0x41: {  	s7 =	simm.s32 $0x300;
	[sflag:s21] =	ssyncadd.s32 $0xFFFF8000  }
0x42: {  	[tilespmem:s28], [sflag:$0x1] =	stream.indirect.gather [spmem:s1], $0x80, s7, s26, $0xb8;
	[tilespmem:$0x1C7C0] =	vst v63  }
0x43: {  	s8 =	simm.s32 $0x380  }
0x44: {  	[tilespmem:s29], [sflag:$0x1] =	stream.indirect.gather [spmem:s1], $0x80, s8, s26, $0xb8;
	[tilespmem:$0x1C7C0] =	vst v63  }
0x45: {  	_ =	swait.ge [sflag:s30], $0x4000  }
0x46: {  	[sflag:s30] =	ssyncset.done $0x0  }
0x47: {  	[sflag:s30] =	ssyncadd.s32 $0xFFFFC000  }
0x48: {  	_ =	swait.ge [sflag:s30], $0x4000  }
0x49: {  	[sflag:s30] =	ssyncset.done $0x0  }
0x4a: {  	[sflag:s30] =	ssyncadd.s32 $0xFFFFC000  }
0x4b: {  	[hbm4b:s11+s2] =	stream.linear.scatter [tilespmem:s28], [sflag:$0x4], $0x8000, $0x38;
	[tilespmem:$0x1C7C0] =	vst v63  }
0x4c: {  	_ =	swait.ge [sflag:s3], $0x8000  }
0x4d: {  	[sflag:s3] =	ssyncset.done $0x0  }
0x4e: {  	s7 =	simm.s32 $0x400;
	[sflag:s3] =	ssyncadd.s32 $0xFFFF8000  }
0x4f: {  	[tilespmem:s0], [sflag:$0x2] =	stream.indirect.gather [spmem:s1], $0x80, s7, s26, $0xb8;
	[tilespmem:$0x1C7C0] =	vst v63  }
0x50: {  	s8 =	simm.s32 $0x480  }
0x51: {  	[tilespmem:s4], [sflag:$0x2] =	stream.indirect.gather [spmem:s1], $0x80, s8, s26, $0xb8;
	[tilespmem:$0x1C7C0] =	vst v63  }
0x52: {  	_ =	swait.ge [sflag:s23], $0x4000  }
0x53: {  	[sflag:s23] =	ssyncset.done $0x0  }
0x54: {  	[sflag:s23] =	ssyncadd.s32 $0xFFFFC000  }
0x55: {  	_ =	swait.ge [sflag:s23], $0x4000  }
0x56: {  	[sflag:s23] =	ssyncset.done $0x0  }
0x57: {  	[sflag:s23] =	ssyncadd.s32 $0xFFFFC000  }
0x58: {  	[hbm4b:s12+s2] =	stream.linear.scatter [tilespmem:s0], [sflag:$0x5], $0x8000, $0x38;
	[tilespmem:$0x1C7C0] =	vst v63  }
0x59: {  	_ =	swait.ge [sflag:s24], $0x8000  }
0x5a: {  	[sflag:s24] =	ssyncset.done $0x0  }
0x5b: {  	s7 =	simm.s32 $0x500;
	[sflag:s24] =	ssyncadd.s32 $0xFFFF8000  }
0x5c: {  	[tilespmem:s20], [sflag:$0x3] =	stream.indirect.gather [spmem:s1], $0x80, s7, s26, $0xb8;
	[tilespmem:$0x1C7C0] =	vst v63  }
0x5d: {  	s8 =	simm.s32 $0x580  }
0x5e: {  	[tilespmem:s25], [sflag:$0x3] =	stream.indirect.gather [spmem:s1], $0x80, s8, s26, $0xb8;
	[tilespmem:$0x1C7C0] =	vst v63  }
0x5f: {  	_ =	swait.ge [sflag:s31], $0x4000  }
0x60: {  	[sflag:s31] =	ssyncset.done $0x0  }
0x61: {  	[sflag:s31] =	ssyncadd.s32 $0xFFFFC000  }
0x62: {  	_ =	swait.ge [sflag:s31], $0x4000  }
0x63: {  	[sflag:s31] =	ssyncset.done $0x0  }
0x64: {  	[sflag:s31] =	ssyncadd.s32 $0xFFFFC000  }
0x65: {  	[hbm4b:s13+s2] =	stream.linear.scatter [tilespmem:s20], [sflag:$0x6], $0x8000, $0x38;
	[tilespmem:$0x1C7C0] =	vst v63  }
0x66: {  	_ =	swait.ge [sflag:s21], $0x8000  }
0x67: {  	[sflag:s21] =	ssyncset.done $0x0  }
0x68: {  	s7 =	simm.s32 $0x600;
	[sflag:s21] =	ssyncadd.s32 $0xFFFF8000  }
0x69: {  	[tilespmem:s28], [sflag:$0x1] =	stream.indirect.gather [spmem:s1], $0x80, s7, s26, $0xb8;
	[tilespmem:$0x1C7C0] =	vst v63  }
0x6a: {  	s8 =	simm.s32 $0x680  }
0x6b: {  	[tilespmem:s29], [sflag:$0x1] =	stream.indirect.gather [spmem:s1], $0x80, s8, s26, $0xb8;
	[tilespmem:$0x1C7C0] =	vst v63  }
0x6c: {  	_ =	swait.ge [sflag:s30], $0x4000  }
0x6d: {  	[sflag:s30] =	ssyncset.done $0x0  }
0x6e: {  	[sflag:s30] =	ssyncadd.s32 $0xFFFFC000  }
0x6f: {  	_ =	swait.ge [sflag:s30], $0x4000  }
0x70: {  	[sflag:s30] =	ssyncset.done $0x0  }
0x71: {  	[sflag:s30] =	ssyncadd.s32 $0xFFFFC000  }
0x72: {  	[hbm4b:s14+s2] =	stream.linear.scatter [tilespmem:s28], [sflag:$0x4], $0x8000, $0x38;
	[tilespmem:$0x1C7C0] =	vst v63  }
0x73: {  	_ =	swait.ge [sflag:s3], $0x8000  }
0x74: {  	[sflag:s3] =	ssyncset.done $0x0  }
0x75: {  	s7 =	simm.s32 $0x700;
	[sflag:s3] =	ssyncadd.s32 $0xFFFF8000  }
0x76: {  	[tilespmem:s0], [sflag:$0x2] =	stream.indirect.gather [spmem:s1], $0x80, s7, s26, $0xb8;
	[tilespmem:$0x1C7C0] =	vst v63  }
0x77: {  	s8 =	simm.s32 $0x780  }
0x78: {  	[tilespmem:s4], [sflag:$0x2] =	stream.indirect.gather [spmem:s1], $0x80, s8, s26, $0xb8;
	[tilespmem:$0x1C7C0] =	vst v63  }
0x79: {  	_ =	swait.ge [sflag:s23], $0x4000  }
0x7a: {  	[sflag:s23] =	ssyncset.done $0x0  }
0x7b: {  	[sflag:s23] =	ssyncadd.s32 $0xFFFFC000  }
0x7c: {  	_ =	swait.ge [sflag:s23], $0x4000  }
0x7d: {  	[sflag:s23] =	ssyncset.done $0x0  }
0x7e: {  	[sflag:s23] =	ssyncadd.s32 $0xFFFFC000  }
0x7f: {  	[hbm4b:s15+s2] =	stream.linear.scatter [tilespmem:s0], [sflag:$0x5], $0x8000, $0x38;
	[tilespmem:$0x1C7C0] =	vst v63  }
0x80: {  	_ =	swait.ge [sflag:s24], $0x8000  }
0x81: {  	[sflag:s24] =	ssyncset.done $0x0  }
0x82: {  	s7 =	simm.s32 $0x800;
	[sflag:s24] =	ssyncadd.s32 $0xFFFF8000  }
0x83: {  	[tilespmem:s20], [sflag:$0x3] =	stream.indirect.gather [spmem:s1], $0x80, s7, s26, $0xb8;
	[tilespmem:$0x1C7C0] =	vst v63  }
0x84: {  	s8 =	simm.s32 $0x880  }
0x85: {  	[tilespmem:s25], [sflag:$0x3] =	stream.indirect.gather [spmem:s1], $0x80, s8, s26, $0xb8;
	[tilespmem:$0x1C7C0] =	vst v63  }
0x86: {  	_ =	swait.ge [sflag:s31], $0x4000  }
0x87: {  	[sflag:s31] =	ssyncset.done $0x0  }
0x88: {  	[sflag:s31] =	ssyncadd.s32 $0xFFFFC000  }
0x89: {  	_ =	swait.ge [sflag:s31], $0x4000  }
0x8a: {  	[sflag:s31] =	ssyncset.done $0x0  }
0x8b: {  	[sflag:s31] =	ssyncadd.s32 $0xFFFFC000  }
0x8c: {  	[hbm4b:s16+s2] =	stream.linear.scatter [tilespmem:s20], [sflag:$0x6], $0x8000, $0x38;
	[tilespmem:$0x1C7C0] =	vst v63  }
0x8d: {  	_ =	swait.ge [sflag:s21], $0x8000  }
0x8e: {  	[sflag:s21] =	ssyncset.done $0x0  }
0x8f: {  	s7 =	simm.s32 $0x900;
	[sflag:s21] =	ssyncadd.s32 $0xFFFF8000  }
0x90: {  	[tilespmem:s28], [sflag:$0x1] =	stream.indirect.gather [spmem:s1], $0x80, s7, s26, $0xb8;
	[tilespmem:$0x1C7C0] =	vst v63  }
0x91: {  	s8 =	simm.s32 $0x980  }
0x92: {  	[tilespmem:s29], [sflag:$0x1] =	stream.indirect.gather [spmem:s1], $0x80, s8, s26, $0xb8;
	[tilespmem:$0x1C7C0] =	vst v63  }
0x93: {  	_ =	swait.ge [sflag:s30], $0x4000  }
0x94: {  	[sflag:s30] =	ssyncset.done $0x0  }
0x95: {  	[sflag:s30] =	ssyncadd.s32 $0xFFFFC000  }
0x96: {  	_ =	swait.ge [sflag:s30], $0x4000  }
0x97: {  	[sflag:s30] =	ssyncset.done $0x0  }
0x98: {  	[sflag:s30] =	ssyncadd.s32 $0xFFFFC000  }
0x99: {  	[hbm4b:s17+s2] =	stream.linear.scatter [tilespmem:s28], [sflag:$0x4], $0x8000, $0x38;
	[tilespmem:$0x1C7C0] =	vst v63  }
0x9a: {  	_ =	swait.ge [sflag:s3], $0x8000  }
0x9b: {  	[sflag:s3] =	ssyncset.done $0x0  }
0x9c: {  	s7 =	simm.s32 $0xA00;
	[sflag:s3] =	ssyncadd.s32 $0xFFFF8000  }
0x9d: {  	[tilespmem:s0], [sflag:$0x2] =	stream.indirect.gather [spmem:s1], $0x80, s7, s26, $0xb8;
	[tilespmem:$0x1C7C0] =	vst v63  }
0x9e: {  	s8 =	simm.s32 $0xA80  }
0x9f: {  	[tilespmem:s4], [sflag:$0x2] =	stream.indirect.gather [spmem:s1], $0x80, s8, s26, $0xb8;
	[tilespmem:$0x1C7C0] =	vst v63  }
0xa0: {  	_ =	swait.ge [sflag:s23], $0x4000  }
0xa1: {  	[sflag:s23] =	ssyncset.done $0x0  }
0xa2: {  	[sflag:s23] =	ssyncadd.s32 $0xFFFFC000  }
0xa3: {  	_ =	swait.ge [sflag:s23], $0x4000  }
0xa4: {  	[sflag:s23] =	ssyncset.done $0x0  }
0xa5: {  	[sflag:s23] =	ssyncadd.s32 $0xFFFFC000  }
0xa6: {  	[hbm4b:s18+s2] =	stream.linear.scatter [tilespmem:s0], [sflag:$0x5], $0x8000, $0x38;
	[tilespmem:$0x1C7C0] =	vst v63  }
0xa7: {  	_ =	swait.ge [sflag:s24], $0x8000  }
0xa8: {  	[sflag:s24] =	ssyncset.done $0x0  }
0xa9: {  	s7 =	simm.s32 $0xB00;
	[sflag:s24] =	ssyncadd.s32 $0xFFFF8000  }
0xaa: {  	[tilespmem:s20], [sflag:$0x3] =	stream.indirect.gather [spmem:s1], $0x80, s7, s26, $0xb8;
	[tilespmem:$0x1C7C0] =	vst v63  }
0xab: {  	s8 =	simm.s32 $0xB80  }
0xac: {  	[tilespmem:s25], [sflag:$0x3] =	stream.indirect.gather [spmem:s1], $0x80, s8, s26, $0xb8;
	[tilespmem:$0x1C7C0] =	vst v63  }
0xad: {  	_ =	swait.ge [sflag:s31], $0x4000  }
0xae: {  	[sflag:s31] =	ssyncset.done $0x0  }
0xaf: {  	[sflag:s31] =	ssyncadd.s32 $0xFFFFC000  }
0xb0: {  	_ =	swait.ge [sflag:s31], $0x4000  }
0xb1: {  	[sflag:s31] =	ssyncset.done $0x0  }
0xb2: {  	s5 =	simm.s32 @!p1 $0x7;
	[sflag:s31] =	ssyncadd.s32 $0xFFFFC000  }
0xb3: {  	[hbm4b:s19+s2] =	stream.linear.scatter [tilespmem:s20], [sflag:$0x6], $0x8000, $0x38;
	[tilespmem:$0x1C7C0] =	vst v63  }
0xb4: {  	_ =	swait.ge @!p1 [sflag:s5], $0x1C00  }
0xb5: {  	[sflag:s5] =	ssyncset.done @!p1 $0x0  }
0xb6: {  	s7 =	simm.s32 @!p1 $0x1ABC0;
	[sflag:s5] =	ssyncadd.s32 @!p1 $0xFFFFE400;
	s5 =	simm.s32 @!p1 $0x0  }
0xb7: {  	[hbm4b:s9+s5] =	stream.linear.scatter @!p1 [tilespmem:s7], [sflag:$0x8], $0x1C00, $0x38;
	[tilespmem:$0x1C7C0] =	vst v63  }
0xb8: {  	s5 =	simm.s32 @p2 $0x7  }
0xb9: {  	_ =	swait.ge @p2 [sflag:s5], $0x1000  }
0xba: {  	[sflag:s5] =	ssyncset.done @p2 $0x0  }
0xbb: {  	s7 =	simm.s32 @p2 $0x1ABC0;
	[sflag:s5] =	ssyncadd.s32 @p2 $0xFFFFF000;
	s5 =	simm.s32 @p2 $0x0  }
0xbc: {  	[hbm4b:s9+s5] =	stream.linear.scatter @p2 [tilespmem:s7], [sflag:$0x8], $0x1000, $0x38;
	[tilespmem:$0x1C7C0] =	vst v63  }
0xbd: {  	_ =	swait.ge [sflag:s21], $0x8000  }
0xbe: {  	[sflag:s21] =	ssyncset.done $0x0  }
0xbf: {  	[sflag:s21] =	ssyncadd.s32 $0xFFFF8000  }
0xc0: {  	_ =	swait.ge [sflag:s3], $0x8000  }
0xc1: {  	[sflag:s3] =	ssyncset.done $0x0  }
0xc2: {  	[sflag:s3] =	ssyncadd.s32 $0xFFFF8000  }
0xc3: {  	_ =	swait.ge [sflag:s24], $0x8000  }
0xc4: {  	[sflag:s24] =	ssyncset.done $0x0  }
0xc5: {  	s10 =	sadd.s32 $0xFFFFFFFF, s10;
	s5 =	simm.s32 @!p1 $0x8;
	[sflag:s24] =	ssyncadd.s32 $0xFFFF8000  }
0xc6: {  	p3 =	sne.s32 s10, $0x0;
	_ =	swait.ge @!p1 [sflag:s5], $0x1C00  }
.Ltmp1:
0xc7: {  	[sflag:s5] =	ssyncset.done @!p1 $0x0;
	(pc) =	sbr.rel @!p3 .LBB2_7-.Ltmp1, $4  }
0xc8: {  	[sflag:s5] =	ssyncadd.s32 @!p1 $0xFFFFE400;
	s5 =	simm.s32 @p2 $0x8  }
0xc9: {  	_ =	swait.ge @p2 [sflag:s5], $0x1000  }
0xca: {  	[sflag:s5] =	ssyncset.done @p2 $0x0  }
0xcb: {  	[sflag:s5] =	ssyncadd.s32 @p2 $0xFFFFF000  }
.LBB2_1:
.Ltmp2:
0xcc: {  	(pc) =	sbr.rel @!p0 .LBB2_2-.Ltmp2, $1  }
0xcd: {  	_ =	sdelay $0x3  }
.Ltmp3:
0xce: {  	(pc) =	sbr.rel @p1 .LBB2_5-.Ltmp3, $4  }
.Ltmp4:
0xcf: {  	(pc) =	sbr.rel @!p1 .LBB2_4-.Ltmp4, $4  }
0xd0: {  	_ = 	snop  }
0xd1: {  	_ = 	snop  }
0xd2: {  	_ = 	snop  }
0xd3: {  	_ = 	snop  }
.LBB2_2:
0xd4: {  	s5 =	rddreg [dreg:$0x5]  }
0xd5: {  	s7 =	rddreg [dreg:$0x9]  }
0xd6: {  	s22 =	smov.u32 s6;
	s6 =	smov.u32 s19;
	s19 =	smov.u32 s18  }
0xd7: {  	s18 =	smov.u32 s17;
	s17 =	smov.u32 s16;
	s16 =	smov.u32 s15  }
0xd8: {  	s15 =	smov.u32 s14;
	s13 =	smov.u32 s13;
	s8 =	simm.s32 $0x1C07  }
0xd9: {  	[spmem:s7], [sflag:s8] =	dma.local [hbm:s5], $0x3E80  }
0xda: {  	s13 =	smov.u32 s13;
	s14 =	smov.u32 s15;
	s15 =	smov.u32 s16  }
0xdb: {  	s16 =	smov.u32 s17;
	s17 =	smov.u32 s18;
	s18 =	smov.u32 s19  }
0xdc: {  	s19 =	smov.u32 s6;
	s6 =	smov.u32 s22;
	s22 =	simm.s32 $0x9  }
.LBB2_4:
0xdd: {  	s5 =	rddreg [dreg:$0x7]  }
0xde: {  	[tilespmem:s2], [sflag:$0x9] =	stream.linear.gather [hbm4b:s5+s2], $0xC38, $0x38;
	[tilespmem:$0x1C7C0] =	vst v63  }
0xdf: {  	_ =	swait.ge [sflag:s22], $0xC38  }
0xe0: {  	[sflag:s22] =	ssyncset.done $0x0  }
0xe1: {  	s5 =	simm.s32 @!p0 $0x7;
	[sflag:s22] =	ssyncadd.s32 $0xFFFFF3C8  }
.Ltmp5:
0xe2: {  	_ =	swait.ge @!p0 [sflag:s5], $0x3E80;
	(pc) =	sbr.rel .LBB2_6-.Ltmp5, $4  }
0xe3: {  	[sflag:s5] =	ssyncset.done @!p0 $0x0  }
0xe4: {  	s7 =	simm.s32 $0xC00;
	s8 =	simm.s32 $0x1ABC0;
	[sflag:s5] =	ssyncadd.s32 @!p0 $0xFFFFC180  }
0xe5: {  	p2 =	por $0x0, $0x0;
	s5 =	simm.s32 $0x38;
	[bflag:$0x0] =	sbarrier.arrive $0xFFFF  }
0xe6: {  	[tilespmem:s8], [sflag:$0x7] =	stream.indirect.gather [spmem:s1], $0x80, s7, s5, $0xb8;
	[tilespmem:$0x1C7C0] =	vst v63  }
.LBB2_7:
0xe7: {  	_ =	sfence.sel $0x180000  }
0xe8: {  	[bflag:$0x0] =	sbarrier.arrive $0xFFFF  }
0xe9: {  	_ =	strace $0x90000047  }
0xea: {  	[bflag:$0x2] =	sbarrier.arrive $0xFFFF  }
0xeb: {  	s0 =	rddreg [dreg:$0x4]  }
0xec: {  	s0 =	sadd.s32 @!p0 $0x100000, s0  }
0xed: {  	[sflag:s0] =	ssyncadd.tile.s32 @!p0 $0x1;
	_ =	shalt  }
.Lfunc_end2:
_tile_overlayer_lowered:
.L_overlay_start_2:
0xee: {  	(tag) =	ssettag $0x2  }
0xef: {  	s0 =	rddreg [dreg:$0x0];
	s2 =	stileid.u32  }
0xf0: {  	s1 =	rddreg [dreg:$0x1];
	p0 =	sne.s32 s2, $0x0  }
0xf1: {  	s3 =	rddreg [dreg:$0x2];
	[bflag:$0x3] =	sbarrier.arrive $0xFFFF;
	s2 =	simm.s32 @!p0 $0x1C09  }
0xf2: {  	[timem:s3], [sflag:s2] =	dma.local @!p0 [hbm:s0], s1  }
0xf3: {  	s0 =	simm.s32 @!p0 $0x9  }
0xf4: {  	_ =	swait.ge @!p0 [sflag:s0], s1  }
0xf5: {  	s1 =	ssub.s32 @!p0 $0x0, s1;
	[sflag:s0] =	ssyncset.done @!p0 $0x0  }
0xf6: {  	[sflag:s0] =	ssyncadd.s32 @!p0 s1  }
0xf7: {  	[bflag:$0x3] =	sbarrier.arrive $0xFFFF  }
0xf8: {  	_ =	shalt  }

</sc_bundles>
